<compile_context>
chip_gen: v7x
topology: tpu7x:2x2x1
jax: 0.10.2.dev20260603
libtpu: 0.0.44.dev20260713+nightly
codegen_flags: <defaults>
</compile_context>

<pallas_src>
import functools

import jax
import jax.numpy as jnp
from jax import lax
from jax.experimental import pallas as pl
from jax.experimental.pallas import tpu as pltpu
from jax.experimental.pallas import tpu_sc as plsc

_B = 16384
_K = 64
_N = 1000000

_TILE_COLS = (_N + 127) // 128
_KROW_STRIDE = _TILE_COLS * 8 * 128
_TILES = (_K // 8) * _TILE_COLS
_IMG_ROWS = _TILES * 8

_info = plsc.get_sparse_core_info()
_NC = _info.num_cores
_NS = _info.num_subcores
_NW = _NC * _NS
_BPW = _B // _NW
_CHUNKS = _BPW // 16
_R = 8
_TPW = _TILES // _NW
_TREM = _TILES - _TPW * _NW

_mesh = plsc.VectorSubcoreMesh(core_axis_name="c", subcore_axis_name="s")


@functools.partial(
    pl.kernel,
    mesh=_mesh,
    out_type=[
        jax.ShapeDtypeStruct((_IMG_ROWS, 128), jnp.float32),
        jax.ShapeDtypeStruct((_IMG_ROWS, 128), jnp.float32),
    ],
    scratch_types=[pltpu.SemaphoreType.DMA, pltpu.SemaphoreType.DMA],
)
def _unpad(gu_t, gi_t, img_u, img_i, sem_u, sem_i):
    wid = lax.axis_index("s") * _NC + lax.axis_index("c")
    t0 = wid * _TPW

    def copy_tile(t, sem_slot_u, sem_slot_i):
        ta = t // _TILE_COLS
        tb = t - ta * _TILE_COLS
        pltpu.async_copy(
            gu_t.at[pl.ds(8 * ta, 8), pl.ds(128 * tb, 128)],
            img_u.at[pl.ds(8 * t, 8), :],
            sem_slot_u,
        )
        pltpu.async_copy(
            gi_t.at[pl.ds(8 * ta, 8), pl.ds(128 * tb, 128)],
            img_i.at[pl.ds(8 * t, 8), :],
            sem_slot_i,
        )

    def drain_tile(t, sem_slot_u, sem_slot_i):
        pltpu.make_async_copy(
            gu_t.at[pl.ds(0, 8), pl.ds(0, 128)], img_u.at[pl.ds(8 * t, 8), :], sem_slot_u
        ).wait()
        pltpu.make_async_copy(
            gi_t.at[pl.ds(0, 8), pl.ds(0, 128)], img_i.at[pl.ds(8 * t, 8), :], sem_slot_i
        ).wait()

    def body(n, _):
        copy_tile(t0 + n, sem_u, sem_i)

        @pl.when(n >= _R)
        def _():
            drain_tile(t0 + n - _R, sem_u, sem_i)

        return 0

    lax.fori_loop(0, _TPW, body, 0)

    def tail(n, _):
        drain_tile(t0 + _TPW - _R + n, sem_u, sem_i)
        return 0

    lax.fori_loop(0, _R, tail, 0)

    @pl.when(wid < _TREM)
    def _():
        t = _NW * _TPW + wid
        copy_tile(t, sem_u, sem_i)
        drain_tile(t, sem_u, sem_i)


@functools.partial(
    pl.kernel,
    mesh=_mesh,
    compiler_params=pltpu.CompilerParams(use_tc_tiling_on_sc=False),
    out_type=[
        jax.ShapeDtypeStruct((_K, _B), jnp.float32),
        jax.ShapeDtypeStruct((_K, _B), jnp.float32),
    ],
    scratch_types=[
        pltpu.VMEM((_BPW,), jnp.int32),
        pltpu.VMEM((_BPW,), jnp.int32),
        pltpu.VMEM((_R, _BPW), jnp.int32),
        pltpu.VMEM((_R, _BPW), jnp.int32),
        pltpu.VMEM((_K, _BPW), jnp.float32),
        pltpu.VMEM((_K, _BPW), jnp.float32),
        pltpu.SemaphoreType.DMA,
        pltpu.SemaphoreType.DMA,
    ],
)
def _gather_flat(
    flat_u,
    flat_i,
    users_hbm,
    items_hbm,
    out_u,
    out_i,
    ucp_v,
    icp_v,
    uw_v,
    iw_v,
    urows_v,
    irows_v,
    sem_u,
    sem_i,
):
    wid = lax.axis_index("s") * _NC + lax.axis_index("c")
    base = wid * _BPW
    pltpu.sync_copy(users_hbm.at[pl.ds(base, _BPW)], ucp_v)
    pltpu.sync_copy(items_hbm.at[pl.ds(base, _BPW)], icp_v)

    def precompute(cp_v):
        def cb(c, _):
            r = cp_v[pl.ds(c * 16, 16)]
            cp_v[pl.ds(c * 16, 16)] = ((r >> 7) << 10) + (r & 127)
            return 0

        lax.fori_loop(0, _CHUNKS, cb, 0)

    precompute(ucp_v)
    precompute(icp_v)

    def fire(k):
        slot = k & (_R - 1)
        bk = (k >> 3) * _KROW_STRIDE + (k & 7) * 128

        def bb(c, _):
            uw_v[slot, pl.ds(c * 16, 16)] = ucp_v[pl.ds(c * 16, 16)] + bk
            iw_v[slot, pl.ds(c * 16, 16)] = icp_v[pl.ds(c * 16, 16)] + bk
            return 0

        lax.fori_loop(0, _CHUNKS, bb, 0)
        pltpu.async_copy(flat_u.at[uw_v.at[slot]], urows_v.at[k], sem_u)
        pltpu.async_copy(flat_i.at[iw_v.at[slot]], irows_v.at[k], sem_i)

    def drain(kk):
        slot = kk & (_R - 1)
        pltpu.make_async_copy(flat_u.at[uw_v.at[slot]], urows_v.at[kk], sem_u).wait()
        pltpu.make_async_copy(flat_i.at[iw_v.at[slot]], irows_v.at[kk], sem_i).wait()

    def body(k, _):
        fire(k)

        @pl.when(k >= _R)
        def _():
            drain(k - _R)

        return 0

    lax.fori_loop(0, _K, body, 0)

    def tail(t, _):
        drain(_K - _R + t)
        return 0

    lax.fori_loop(0, _R, tail, 0)

    pltpu.sync_copy(urows_v, out_u.at[:, pl.ds(base, _BPW)])
    pltpu.sync_copy(irows_v, out_i.at[:, pl.ds(base, _BPW)])


def kernel(Gu, Gi, users, items):
    img_u, img_i = _unpad(Gu.T, Gi.T)
    flat_u = img_u.reshape(_IMG_ROWS * 128)
    flat_i = img_i.reshape(_IMG_ROWS * 128)
    out_tu, out_ti = _gather_flat(
        flat_u, flat_i, users.astype(jnp.int32), items.astype(jnp.int32)
    )
    return (out_tu.T, out_ti.T)

# --- scband reference (transcript-rebuilt; emitter-appended) ---
"""Pipeline reference for scband-direct-aumodel-65773129171711 (READ-ONLY COPY).

The authoritative reference and input builder live on the scoring server;
editing this copy changes nothing except your own understanding.
"""

import jax, jax.numpy as jnp
import numpy as np

NUM_USERS = 1000000
NUM_ITEMS = 1000000
EMBED_K = 64
BATCH = 16384

def setup_inputs(seed: int = 0) -> dict:
    key = jax.random.key(seed)
    k1, k2, k3, k4 = jax.random.split(key, 4)
    # Xavier normal init for embedding tables (fan_in=num_rows, fan_out=embed_k)
    std_u = float(np.sqrt(2.0 / (NUM_USERS + EMBED_K)))
    std_i = float(np.sqrt(2.0 / (NUM_ITEMS + EMBED_K)))
    Gu = jax.random.normal(k1, (NUM_USERS, EMBED_K), dtype=jnp.float32) * std_u
    Gi = jax.random.normal(k2, (NUM_ITEMS, EMBED_K), dtype=jnp.float32) * std_i
    users = jax.random.randint(k3, (BATCH,), 0, NUM_USERS, dtype=jnp.int64 if jax.config.jax_enable_x64 else jnp.int32)
    items = jax.random.randint(k4, (BATCH,), 0, NUM_ITEMS, dtype=jnp.int64 if jax.config.jax_enable_x64 else jnp.int32)
    return {"Gu": Gu, "Gi": Gi, "users": users, "items": items}

def reference(Gu, Gi, users, items):
    # gamma_u = squeeze(Gu.weight[users, :]); squeeze is a no-op for [B, K] with B>1, K>1
    gamma_u = jnp.squeeze(jnp.take(Gu, users, axis=0))
    gamma_i = jnp.squeeze(jnp.take(Gi, items, axis=0))
    return (gamma_u, gamma_i)

if __name__ == "__main__":
    import jax
    _d = setup_inputs()
    print(jax.jit(kernel)(*tuple(_d.values())))

</pallas_src>

<mosaic_0001>
#map = affine_map<(d0, d1) -> (0, 0)>
module attributes {stable_mosaic.version = 14 : i64} {
  func.func @_unpad(%arg0: i32, %arg1: i32, %arg2: memref<64x1000000xf32, #tpu.memory_space<hbm>>, %arg3: memref<64x1000000xf32, #tpu.memory_space<hbm>>, %arg4: memref<500032x128xf32, #tpu.memory_space<hbm>>, %arg5: memref<500032x128xf32, #tpu.memory_space<hbm>>, %arg6: memref<!tpu.dma_semaphore, #tpu.memory_space<semaphore_mem>>, %arg7: memref<!tpu.dma_semaphore, #tpu.memory_space<semaphore_mem>>) attributes {dimension_semantics = [#tpu.dimension_semantics<core_parallel>, #tpu.dimension_semantics<subcore_parallel>], iteration_bounds = array<i64: 2, 16>, scalar_prefetch = 0 : i64, scratch_operands = 2 : i64, tpu.core_type = #tpu.core_type<sc_vector_subcore>, window_params = [{transform_indices = #map}, {transform_indices = #map}, {transform_indices = #map}, {transform_indices = #map}]} {
    %mul3A = arith.constant 2 : i32
    %mul3A_0 = arith.muli %arg1, %mul3A : i32
    %add3A = arith.addi %mul3A_0, %arg0 : i32
    %mul3A_1 = arith.constant 1953 : i32
    %mul3A_2 = arith.muli %add3A, %mul3A_1 : i32
    %scan3A = arith.constant 0 : i32
    %scan3A_3 = arith.constant 0 : i32
    %scan3A_4 = arith.constant 1953 : i32
    %scan3A_5 = arith.addi %scan3A_3, %scan3A_4 : i32
    %scan3A_6 = arith.constant 1 : i32
    %scan3A_7 = scf.for %scan3A_18 = %scan3A_3 to %scan3A_5 step %scan3A_6 iter_args(%scan3A_19 = %scan3A) -> (i32)  : i32 {
      %add3A_20 = arith.addi %mul3A_2, %scan3A_18 : i32
      %jit3A = arith.constant 7813 : i32
      %div3A = arith.divsi %add3A_20, %jit3A : i32
      %sign3A = arith.constant 0 : i32
      %sign3A_21 = arith.cmpi sgt, %add3A_20, %sign3A : i32
      %sign3A_22 = arith.extui %sign3A_21 : i1 to i32
      %sign3A_23 = arith.constant 0 : i32
      %sign3A_24 = arith.cmpi slt, %add3A_20, %sign3A_23 : i32
      %sign3A_25 = arith.extui %sign3A_24 : i1 to i32
      %sign3A_26 = arith.subi %sign3A_22, %sign3A_25 : i32
      %sign3A_27 = arith.constant 0 : i32
      %sign3A_28 = arith.cmpi sgt, %jit3A, %sign3A_27 : i32
      %sign3A_29 = arith.extui %sign3A_28 : i1 to i32
      %sign3A_30 = arith.constant 0 : i32
      %sign3A_31 = arith.cmpi slt, %jit3A, %sign3A_30 : i32
      %sign3A_32 = arith.extui %sign3A_31 : i1 to i32
      %sign3A_33 = arith.subi %sign3A_29, %sign3A_32 : i32
      %ne3A = arith.cmpi ne, %sign3A_26, %sign3A_33 : i32
      %rem3A = arith.remsi %add3A_20, %jit3A : i32
      %ne3A_34 = arith.constant 0 : i32
      %ne3A_35 = arith.cmpi ne, %rem3A, %ne3A_34 : i32
      %and3A = arith.andi %ne3A, %ne3A_35 : i1
      %sub3A = arith.constant 1 : i32
      %sub3A_36 = arith.subi %div3A, %sub3A : i32
      %select_n3A = arith.select %and3A, %sub3A_36, %div3A : i32
      %mul3A_37 = arith.constant 7813 : i32
      %mul3A_38 = arith.muli %select_n3A, %mul3A_37 : i32
      %sub3A_39 = arith.subi %add3A_20, %mul3A_38 : i32
      %mul3A_40 = arith.constant 8 : i32
      %mul3A_41 = arith.muli %mul3A_40, %select_n3A : i32
      %mul3A_42 = arith.constant 128 : i32
      %mul3A_43 = arith.muli %mul3A_42, %sub3A_39 : i32
      %mul3A_44 = arith.constant 8 : i32
      %mul3A_45 = arith.muli %mul3A_44, %add3A_20 : i32
      %dma_start3A = arith.constant 0 : i32
      %dma_start3A_46 = tpu.memref_slice %arg4[%mul3A_45, %dma_start3A] : memref<500032x128xf32, #tpu.memory_space<hbm>> -> memref<8x128xf32, #tpu.memory_space<hbm>>
      %dma_start3A_47 = tpu.memref_slice %arg2[%mul3A_41, %mul3A_43] : memref<64x1000000xf32, #tpu.memory_space<hbm>> -> memref<8x128xf32, #tpu.memory_space<hbm>>
      tpu.enqueue_dma source(%dma_start3A_47 : memref<8x128xf32, #tpu.memory_space<hbm>>) target(%dma_start3A_46 : memref<8x128xf32, #tpu.memory_space<hbm>>) target_semaphore(%arg6 : memref<!tpu.dma_semaphore, #tpu.memory_space<semaphore_mem>>)
      %mul3A_48 = arith.constant 8 : i32
      %mul3A_49 = arith.muli %mul3A_48, %select_n3A : i32
      %mul3A_50 = arith.constant 128 : i32
      %mul3A_51 = arith.muli %mul3A_50, %sub3A_39 : i32
      %mul3A_52 = arith.constant 8 : i32
      %mul3A_53 = arith.muli %mul3A_52, %add3A_20 : i32
      %dma_start3A_54 = arith.constant 0 : i32
      %dma_start3A_55 = tpu.memref_slice %arg5[%mul3A_53, %dma_start3A_54] : memref<500032x128xf32, #tpu.memory_space<hbm>> -> memref<8x128xf32, #tpu.memory_space<hbm>>
      %dma_start3A_56 = tpu.memref_slice %arg3[%mul3A_49, %mul3A_51] : memref<64x1000000xf32, #tpu.memory_space<hbm>> -> memref<8x128xf32, #tpu.memory_space<hbm>>
      tpu.enqueue_dma source(%dma_start3A_56 : memref<8x128xf32, #tpu.memory_space<hbm>>) target(%dma_start3A_55 : memref<8x128xf32, #tpu.memory_space<hbm>>) target_semaphore(%arg7 : memref<!tpu.dma_semaphore, #tpu.memory_space<semaphore_mem>>)
      %ge3A = arith.constant 8 : i32
      %ge3A_57 = arith.cmpi sge, %scan3A_18, %ge3A : i32
      %convert_element_type3A_58 = arith.extui %ge3A_57 : i1 to i32
      %cond3A_59 = arith.constant 0 : i32
      %cond3A_60 = arith.cmpi ne, %convert_element_type3A_58, %cond3A_59 : i32
      scf.if %cond3A_60 {
        %add3A_62 = arith.addi %mul3A_2, %scan3A_18 : i32
        %sub3A_63 = arith.constant 8 : i32
        %sub3A_64 = arith.subi %add3A_62, %sub3A_63 : i32
        %mul3A_65 = arith.constant 8 : i32
        %mul3A_66 = arith.muli %mul3A_65, %sub3A_64 : i32
        %dma_wait3A = arith.constant 0 : i32
        %dma_wait3A_67 = tpu.memref_slice %arg4[%mul3A_66, %dma_wait3A] : memref<500032x128xf32, #tpu.memory_space<hbm>> -> memref<8x128xf32, #tpu.memory_space<hbm>>
        %dma_wait3A_68 = arith.constant 0 : i32
        %dma_wait3A_69 = arith.constant 0 : i32
        %dma_wait3A_70 = tpu.memref_slice %arg2[%dma_wait3A_68, %dma_wait3A_69] : memref<64x1000000xf32, #tpu.memory_space<hbm>> -> memref<8x128xf32, #tpu.memory_space<hbm>>
        tpu.wait_dma2 semaphore(%arg6 : memref<!tpu.dma_semaphore, #tpu.memory_space<semaphore_mem>>) src(%dma_wait3A_70 : memref<8x128xf32, #tpu.memory_space<hbm>>) dst(%dma_wait3A_67 : memref<8x128xf32, #tpu.memory_space<hbm>>)
        %mul3A_71 = arith.constant 8 : i32
        %mul3A_72 = arith.muli %mul3A_71, %sub3A_64 : i32
        %dma_wait3A_73 = arith.constant 0 : i32
        %dma_wait3A_74 = tpu.memref_slice %arg5[%mul3A_72, %dma_wait3A_73] : memref<500032x128xf32, #tpu.memory_space<hbm>> -> memref<8x128xf32, #tpu.memory_space<hbm>>
        %dma_wait3A_75 = arith.constant 0 : i32
        %dma_wait3A_76 = arith.constant 0 : i32
        %dma_wait3A_77 = tpu.memref_slice %arg3[%dma_wait3A_75, %dma_wait3A_76] : memref<64x1000000xf32, #tpu.memory_space<hbm>> -> memref<8x128xf32, #tpu.memory_space<hbm>>
        tpu.wait_dma2 semaphore(%arg7 : memref<!tpu.dma_semaphore, #tpu.memory_space<semaphore_mem>>) src(%dma_wait3A_77 : memref<8x128xf32, #tpu.memory_space<hbm>>) dst(%dma_wait3A_74 : memref<8x128xf32, #tpu.memory_space<hbm>>)
      } else {
      }
      %scan3A_61 = arith.constant 0 : i32
      scf.yield %scan3A_61 : i32
    }
    %scan3A_8 = arith.constant 1953 : i32
    %scan3A_9 = arith.constant 0 : i32
    %scan3A_10 = arith.constant 0 : i32
    %scan3A_11 = arith.constant 8 : i32
    %scan3A_12 = arith.addi %scan3A_10, %scan3A_11 : i32
    %scan3A_13 = arith.constant 1 : i32
    %scan3A_14 = scf.for %scan3A_18 = %scan3A_10 to %scan3A_12 step %scan3A_13 iter_args(%scan3A_19 = %scan3A_9) -> (i32)  : i32 {
      %add3A_20 = arith.constant 1953 : i32
      %add3A_21 = arith.addi %mul3A_2, %add3A_20 : i32
      %sub3A = arith.constant 8 : i32
      %sub3A_22 = arith.subi %add3A_21, %sub3A : i32
      %add3A_23 = arith.addi %sub3A_22, %scan3A_18 : i32
      %mul3A_24 = arith.constant 8 : i32
      %mul3A_25 = arith.muli %mul3A_24, %add3A_23 : i32
      %dma_wait3A = arith.constant 0 : i32
      %dma_wait3A_26 = tpu.memref_slice %arg4[%mul3A_25, %dma_wait3A] : memref<500032x128xf32, #tpu.memory_space<hbm>> -> memref<8x128xf32, #tpu.memory_space<hbm>>
      %dma_wait3A_27 = arith.constant 0 : i32
      %dma_wait3A_28 = arith.constant 0 : i32
      %dma_wait3A_29 = tpu.memref_slice %arg2[%dma_wait3A_27, %dma_wait3A_28] : memref<64x1000000xf32, #tpu.memory_space<hbm>> -> memref<8x128xf32, #tpu.memory_space<hbm>>
      tpu.wait_dma2 semaphore(%arg6 : memref<!tpu.dma_semaphore, #tpu.memory_space<semaphore_mem>>) src(%dma_wait3A_29 : memref<8x128xf32, #tpu.memory_space<hbm>>) dst(%dma_wait3A_26 : memref<8x128xf32, #tpu.memory_space<hbm>>)
      %mul3A_30 = arith.constant 8 : i32
      %mul3A_31 = arith.muli %mul3A_30, %add3A_23 : i32
      %dma_wait3A_32 = arith.constant 0 : i32
      %dma_wait3A_33 = tpu.memref_slice %arg5[%mul3A_31, %dma_wait3A_32] : memref<500032x128xf32, #tpu.memory_space<hbm>> -> memref<8x128xf32, #tpu.memory_space<hbm>>
      %dma_wait3A_34 = arith.constant 0 : i32
      %dma_wait3A_35 = arith.constant 0 : i32
      %dma_wait3A_36 = tpu.memref_slice %arg3[%dma_wait3A_34, %dma_wait3A_35] : memref<64x1000000xf32, #tpu.memory_space<hbm>> -> memref<8x128xf32, #tpu.memory_space<hbm>>
      tpu.wait_dma2 semaphore(%arg7 : memref<!tpu.dma_semaphore, #tpu.memory_space<semaphore_mem>>) src(%dma_wait3A_36 : memref<8x128xf32, #tpu.memory_space<hbm>>) dst(%dma_wait3A_33 : memref<8x128xf32, #tpu.memory_space<hbm>>)
      %scan3A_37 = arith.constant 0 : i32
      scf.yield %scan3A_37 : i32
    }
    %scan3A_15 = arith.constant 8 : i32
    %lt3A = arith.constant 8 : i32
    %lt3A_16 = arith.cmpi slt, %add3A, %lt3A : i32
    %convert_element_type3A = arith.extui %lt3A_16 : i1 to i32
    %cond3A = arith.constant 0 : i32
    %cond3A_17 = arith.cmpi ne, %convert_element_type3A, %cond3A : i32
    scf.if %cond3A_17 {
      %add3A_18 = arith.constant 62496 : i32
      %add3A_19 = arith.addi %add3A_18, %add3A : i32
      %jit3A = arith.constant 7813 : i32
      %div3A = arith.divsi %add3A_19, %jit3A : i32
      %sign3A = arith.constant 0 : i32
      %sign3A_20 = arith.cmpi sgt, %add3A_19, %sign3A : i32
      %sign3A_21 = arith.extui %sign3A_20 : i1 to i32
      %sign3A_22 = arith.constant 0 : i32
      %sign3A_23 = arith.cmpi slt, %add3A_19, %sign3A_22 : i32
      %sign3A_24 = arith.extui %sign3A_23 : i1 to i32
      %sign3A_25 = arith.subi %sign3A_21, %sign3A_24 : i32
      %sign3A_26 = arith.constant 0 : i32
      %sign3A_27 = arith.cmpi sgt, %jit3A, %sign3A_26 : i32
      %sign3A_28 = arith.extui %sign3A_27 : i1 to i32
      %sign3A_29 = arith.constant 0 : i32
      %sign3A_30 = arith.cmpi slt, %jit3A, %sign3A_29 : i32
      %sign3A_31 = arith.extui %sign3A_30 : i1 to i32
      %sign3A_32 = arith.subi %sign3A_28, %sign3A_31 : i32
      %ne3A = arith.cmpi ne, %sign3A_25, %sign3A_32 : i32
      %rem3A = arith.remsi %add3A_19, %jit3A : i32
      %ne3A_33 = arith.constant 0 : i32
      %ne3A_34 = arith.cmpi ne, %rem3A, %ne3A_33 : i32
      %and3A = arith.andi %ne3A, %ne3A_34 : i1
      %sub3A = arith.constant 1 : i32
      %sub3A_35 = arith.subi %div3A, %sub3A : i32
      %select_n3A = arith.select %and3A, %sub3A_35, %div3A : i32
      %mul3A_36 = arith.constant 7813 : i32
      %mul3A_37 = arith.muli %select_n3A, %mul3A_36 : i32
      %sub3A_38 = arith.subi %add3A_19, %mul3A_37 : i32
      %mul3A_39 = arith.constant 8 : i32
      %mul3A_40 = arith.muli %mul3A_39, %select_n3A : i32
      %mul3A_41 = arith.constant 128 : i32
      %mul3A_42 = arith.muli %mul3A_41, %sub3A_38 : i32
      %mul3A_43 = arith.constant 8 : i32
      %mul3A_44 = arith.muli %mul3A_43, %add3A_19 : i32
      %dma_start3A = arith.constant 0 : i32
      %dma_start3A_45 = tpu.memref_slice %arg4[%mul3A_44, %dma_start3A] : memref<500032x128xf32, #tpu.memory_space<hbm>> -> memref<8x128xf32, #tpu.memory_space<hbm>>
      %dma_start3A_46 = tpu.memref_slice %arg2[%mul3A_40, %mul3A_42] : memref<64x1000000xf32, #tpu.memory_space<hbm>> -> memref<8x128xf32, #tpu.memory_space<hbm>>
      tpu.enqueue_dma source(%dma_start3A_46 : memref<8x128xf32, #tpu.memory_space<hbm>>) target(%dma_start3A_45 : memref<8x128xf32, #tpu.memory_space<hbm>>) target_semaphore(%arg6 : memref<!tpu.dma_semaphore, #tpu.memory_space<semaphore_mem>>)
      %mul3A_47 = arith.constant 8 : i32
      %mul3A_48 = arith.muli %mul3A_47, %select_n3A : i32
      %mul3A_49 = arith.constant 128 : i32
      %mul3A_50 = arith.muli %mul3A_49, %sub3A_38 : i32
      %mul3A_51 = arith.constant 8 : i32
      %mul3A_52 = arith.muli %mul3A_51, %add3A_19 : i32
      %dma_start3A_53 = arith.constant 0 : i32
      %dma_start3A_54 = tpu.memref_slice %arg5[%mul3A_52, %dma_start3A_53] : memref<500032x128xf32, #tpu.memory_space<hbm>> -> memref<8x128xf32, #tpu.memory_space<hbm>>
      %dma_start3A_55 = tpu.memref_slice %arg3[%mul3A_48, %mul3A_50] : memref<64x1000000xf32, #tpu.memory_space<hbm>> -> memref<8x128xf32, #tpu.memory_space<hbm>>
      tpu.enqueue_dma source(%dma_start3A_55 : memref<8x128xf32, #tpu.memory_space<hbm>>) target(%dma_start3A_54 : memref<8x128xf32, #tpu.memory_space<hbm>>) target_semaphore(%arg7 : memref<!tpu.dma_semaphore, #tpu.memory_space<semaphore_mem>>)
      %mul3A_56 = arith.constant 8 : i32
      %mul3A_57 = arith.muli %mul3A_56, %add3A_19 : i32
      %dma_wait3A = arith.constant 0 : i32
      %dma_wait3A_58 = tpu.memref_slice %arg4[%mul3A_57, %dma_wait3A] : memref<500032x128xf32, #tpu.memory_space<hbm>> -> memref<8x128xf32, #tpu.memory_space<hbm>>
      %dma_wait3A_59 = arith.constant 0 : i32
      %dma_wait3A_60 = arith.constant 0 : i32
      %dma_wait3A_61 = tpu.memref_slice %arg2[%dma_wait3A_59, %dma_wait3A_60] : memref<64x1000000xf32, #tpu.memory_space<hbm>> -> memref<8x128xf32, #tpu.memory_space<hbm>>
      tpu.wait_dma2 semaphore(%arg6 : memref<!tpu.dma_semaphore, #tpu.memory_space<semaphore_mem>>) src(%dma_wait3A_61 : memref<8x128xf32, #tpu.memory_space<hbm>>) dst(%dma_wait3A_58 : memref<8x128xf32, #tpu.memory_space<hbm>>)
      %mul3A_62 = arith.constant 8 : i32
      %mul3A_63 = arith.muli %mul3A_62, %add3A_19 : i32
      %dma_wait3A_64 = arith.constant 0 : i32
      %dma_wait3A_65 = tpu.memref_slice %arg5[%mul3A_63, %dma_wait3A_64] : memref<500032x128xf32, #tpu.memory_space<hbm>> -> memref<8x128xf32, #tpu.memory_space<hbm>>
      %dma_wait3A_66 = arith.constant 0 : i32
      %dma_wait3A_67 = arith.constant 0 : i32
      %dma_wait3A_68 = tpu.memref_slice %arg3[%dma_wait3A_66, %dma_wait3A_67] : memref<64x1000000xf32, #tpu.memory_space<hbm>> -> memref<8x128xf32, #tpu.memory_space<hbm>>
      tpu.wait_dma2 semaphore(%arg7 : memref<!tpu.dma_semaphore, #tpu.memory_space<semaphore_mem>>) src(%dma_wait3A_68 : memref<8x128xf32, #tpu.memory_space<hbm>>) dst(%dma_wait3A_65 : memref<8x128xf32, #tpu.memory_space<hbm>>)
    } else {
    }
    return
  }
}

#map = affine_map<(d0, d1) -> (0)>
#map1 = affine_map<(d0, d1) -> (0, 0)>
module attributes {stable_mosaic.version = 14 : i64} {
  func.func @_gather_flat(%arg0: i32, %arg1: i32, %arg2: memref<64004096xf32, #tpu.memory_space<hbm>>, %arg3: memref<64004096xf32, #tpu.memory_space<hbm>>, %arg4: memref<16384xi32, #tpu.memory_space<hbm>>, %arg5: memref<16384xi32, #tpu.memory_space<hbm>>, %arg6: memref<64x16384xf32, #tpu.memory_space<hbm>>, %arg7: memref<64x16384xf32, #tpu.memory_space<hbm>>, %arg8: memref<512xi32, #tpu.memory_space<vmem>>, %arg9: memref<512xi32, #tpu.memory_space<vmem>>, %arg10: memref<8x512xi32, #tpu.memory_space<vmem>>, %arg11: memref<8x512xi32, #tpu.memory_space<vmem>>, %arg12: memref<64x512xf32, #tpu.memory_space<vmem>>, %arg13: memref<64x512xf32, #tpu.memory_space<vmem>>, %arg14: memref<!tpu.dma_semaphore, #tpu.memory_space<semaphore_mem>>, %arg15: memref<!tpu.dma_semaphore, #tpu.memory_space<semaphore_mem>>) attributes {dimension_semantics = [#tpu.dimension_semantics<core_parallel>, #tpu.dimension_semantics<subcore_parallel>], iteration_bounds = array<i64: 2, 16>, scalar_prefetch = 0 : i64, scratch_operands = 8 : i64, tpu.core_type = #tpu.core_type<sc_vector_subcore>, window_params = [{transform_indices = #map}, {transform_indices = #map}, {transform_indices = #map}, {transform_indices = #map}, {transform_indices = #map1}, {transform_indices = #map1}]} {
    %mul3A = arith.constant 2 : i32
    %mul3A_0 = arith.muli %arg1, %mul3A : i32
    %add3A = arith.addi %mul3A_0, %arg0 : i32
    %mul3A_1 = arith.constant 512 : i32
    %mul3A_2 = arith.muli %add3A, %mul3A_1 : i32
    "tpu.region"() ({
      %run_scoped3A = tpu.sem_alloc : memref<!tpu.dma_semaphore, #tpu.memory_space<semaphore_mem>>
      %dma_start3A = tpu.memref_slice %arg4[%mul3A_2] : memref<16384xi32, #tpu.memory_space<hbm>> -> memref<512xi32, #tpu.memory_space<hbm>>
      %dma_start3A_30 = tpu.memref_slice %arg4[%mul3A_2] : memref<16384xi32, #tpu.memory_space<hbm>> -> memref<512xi32, #tpu.memory_space<hbm>>
      tpu.enqueue_dma source(%dma_start3A_30 : memref<512xi32, #tpu.memory_space<hbm>>) target(%arg8 : memref<512xi32, #tpu.memory_space<vmem>>) target_semaphore(%run_scoped3A : memref<!tpu.dma_semaphore, #tpu.memory_space<semaphore_mem>>)
      %dma_wait3A = tpu.memref_slice %arg4[%mul3A_2] : memref<16384xi32, #tpu.memory_space<hbm>> -> memref<512xi32, #tpu.memory_space<hbm>>
      %dma_wait3A_31 = tpu.memref_slice %arg4[%mul3A_2] : memref<16384xi32, #tpu.memory_space<hbm>> -> memref<512xi32, #tpu.memory_space<hbm>>
      tpu.wait_dma2 semaphore(%run_scoped3A : memref<!tpu.dma_semaphore, #tpu.memory_space<semaphore_mem>>) src(%dma_wait3A_31 : memref<512xi32, #tpu.memory_space<hbm>>) dst(%arg8 : memref<512xi32, #tpu.memory_space<vmem>>)
      tpu.yield
    }) : () -> ()
    "tpu.region"() ({
      %run_scoped3A = tpu.sem_alloc : memref<!tpu.dma_semaphore, #tpu.memory_space<semaphore_mem>>
      %dma_start3A = tpu.memref_slice %arg5[%mul3A_2] : memref<16384xi32, #tpu.memory_space<hbm>> -> memref<512xi32, #tpu.memory_space<hbm>>
      %dma_start3A_30 = tpu.memref_slice %arg5[%mul3A_2] : memref<16384xi32, #tpu.memory_space<hbm>> -> memref<512xi32, #tpu.memory_space<hbm>>
      tpu.enqueue_dma source(%dma_start3A_30 : memref<512xi32, #tpu.memory_space<hbm>>) target(%arg9 : memref<512xi32, #tpu.memory_space<vmem>>) target_semaphore(%run_scoped3A : memref<!tpu.dma_semaphore, #tpu.memory_space<semaphore_mem>>)
      %dma_wait3A = tpu.memref_slice %arg5[%mul3A_2] : memref<16384xi32, #tpu.memory_space<hbm>> -> memref<512xi32, #tpu.memory_space<hbm>>
      %dma_wait3A_31 = tpu.memref_slice %arg5[%mul3A_2] : memref<16384xi32, #tpu.memory_space<hbm>> -> memref<512xi32, #tpu.memory_space<hbm>>
      tpu.wait_dma2 semaphore(%run_scoped3A : memref<!tpu.dma_semaphore, #tpu.memory_space<semaphore_mem>>) src(%dma_wait3A_31 : memref<512xi32, #tpu.memory_space<hbm>>) dst(%arg9 : memref<512xi32, #tpu.memory_space<vmem>>)
      tpu.yield
    }) : () -> ()
    %scan3A = arith.constant 0 : i32
    %scan3A_3 = arith.constant 0 : i32
    %scan3A_4 = arith.constant 32 : i32
    %scan3A_5 = arith.addi %scan3A_3, %scan3A_4 : i32
    %scan3A_6 = arith.constant 1 : i32
    %scan3A_7 = scf.for %scan3A_30 = %scan3A_3 to %scan3A_5 step %scan3A_6 iter_args(%scan3A_31 = %scan3A) -> (i32)  : i32 {
      %mul3A_32 = arith.constant 16 : i32
      %mul3A_33 = arith.muli %scan3A_30, %mul3A_32 : i32
      %get3A = arith.index_cast %mul3A_33 : i32 to index
      %get3A_34 = tpu.vector_load %arg8[%get3A] {strides = array<i32>} : memref<512xi32, #tpu.memory_space<vmem>>, vector<16xi32>,
      %get3A_35 = vector.shape_cast %get3A_34 : vector<16xi32> to vector<16xi32>
      %shift_right_arithmetic3A = arith.constant 7 : i32
      %shift_right_arithmetic3A_36 = vector.broadcast %shift_right_arithmetic3A : i32 to vector<16xi32>
      %shift_right_arithmetic3A_37 = arith.shrsi %get3A_35, %shift_right_arithmetic3A_36 : vector<16xi32>
      %shift_left3A = arith.constant 10 : i32
      %shift_left3A_38 = vector.broadcast %shift_left3A : i32 to vector<16xi32>
      %shift_left3A_39 = arith.shli %shift_right_arithmetic3A_37, %shift_left3A_38 : vector<16xi32>
      %and3A = arith.constant 127 : i32
      %and3A_40 = vector.broadcast %and3A : i32 to vector<16xi32>
      %and3A_41 = arith.andi %get3A_35, %and3A_40 : vector<16xi32>
      %add3A_42 = arith.addi %shift_left3A_39, %and3A_41 : vector<16xi32>
      %mul3A_43 = arith.constant 16 : i32
      %mul3A_44 = arith.muli %scan3A_30, %mul3A_43 : i32
      %swap3A = arith.index_cast %mul3A_44 : i32 to index
      %swap3A_45 = tpu.vector_load %arg8[%swap3A] {strides = array<i32>} : memref<512xi32, #tpu.memory_space<vmem>>, vector<16xi32>,
      %swap3A_46 = vector.shape_cast %swap3A_45 : vector<16xi32> to vector<16xi32>
      %swap3A_47 = vector.shape_cast %add3A_42 : vector<16xi32> to vector<16xi32>
      tpu.vector_store %arg8[%swap3A], %swap3A_47 {strides = array<i32>} : memref<512xi32, #tpu.memory_space<vmem>>, vector<16xi32>,
      %scan3A_48 = arith.constant 0 : i32
      scf.yield %scan3A_48 : i32
    }
    %scan3A_8 = arith.constant 32 : i32
    %scan3A_9 = arith.constant 0 : i32
    %scan3A_10 = arith.constant 0 : i32
    %scan3A_11 = arith.constant 32 : i32
    %scan3A_12 = arith.addi %scan3A_10, %scan3A_11 : i32
    %scan3A_13 = arith.constant 1 : i32
    %scan3A_14 = scf.for %scan3A_30 = %scan3A_10 to %scan3A_12 step %scan3A_13 iter_args(%scan3A_31 = %scan3A_9) -> (i32)  : i32 {
      %mul3A_32 = arith.constant 16 : i32
      %mul3A_33 = arith.muli %scan3A_30, %mul3A_32 : i32
      %get3A = arith.index_cast %mul3A_33 : i32 to index
      %get3A_34 = tpu.vector_load %arg9[%get3A] {strides = array<i32>} : memref<512xi32, #tpu.memory_space<vmem>>, vector<16xi32>,
      %get3A_35 = vector.shape_cast %get3A_34 : vector<16xi32> to vector<16xi32>
      %shift_right_arithmetic3A = arith.constant 7 : i32
      %shift_right_arithmetic3A_36 = vector.broadcast %shift_right_arithmetic3A : i32 to vector<16xi32>
      %shift_right_arithmetic3A_37 = arith.shrsi %get3A_35, %shift_right_arithmetic3A_36 : vector<16xi32>
      %shift_left3A = arith.constant 10 : i32
      %shift_left3A_38 = vector.broadcast %shift_left3A : i32 to vector<16xi32>
      %shift_left3A_39 = arith.shli %shift_right_arithmetic3A_37, %shift_left3A_38 : vector<16xi32>
      %and3A = arith.constant 127 : i32
      %and3A_40 = vector.broadcast %and3A : i32 to vector<16xi32>
      %and3A_41 = arith.andi %get3A_35, %and3A_40 : vector<16xi32>
      %add3A_42 = arith.addi %shift_left3A_39, %and3A_41 : vector<16xi32>
      %mul3A_43 = arith.constant 16 : i32
      %mul3A_44 = arith.muli %scan3A_30, %mul3A_43 : i32
      %swap3A = arith.index_cast %mul3A_44 : i32 to index
      %swap3A_45 = tpu.vector_load %arg9[%swap3A] {strides = array<i32>} : memref<512xi32, #tpu.memory_space<vmem>>, vector<16xi32>,
      %swap3A_46 = vector.shape_cast %swap3A_45 : vector<16xi32> to vector<16xi32>
      %swap3A_47 = vector.shape_cast %add3A_42 : vector<16xi32> to vector<16xi32>
      tpu.vector_store %arg9[%swap3A], %swap3A_47 {strides = array<i32>} : memref<512xi32, #tpu.memory_space<vmem>>, vector<16xi32>,
      %scan3A_48 = arith.constant 0 : i32
      scf.yield %scan3A_48 : i32
    }
    %scan3A_15 = arith.constant 32 : i32
    %scan3A_16 = arith.constant 0 : i32
    %scan3A_17 = arith.constant 0 : i32
    %scan3A_18 = arith.constant 64 : i32
    %scan3A_19 = arith.addi %scan3A_17, %scan3A_18 : i32
    %scan3A_20 = arith.constant 1 : i32
    %scan3A_21 = scf.for %scan3A_30 = %scan3A_17 to %scan3A_19 step %scan3A_20 iter_args(%scan3A_31 = %scan3A_16) -> (i32)  : i32 {
      %and3A = arith.constant 7 : i32
      %and3A_32 = arith.andi %scan3A_30, %and3A : i32
      %shift_right_arithmetic3A = arith.constant 3 : i32
      %shift_right_arithmetic3A_33 = arith.shrsi %scan3A_30, %shift_right_arithmetic3A : i32
      %mul3A_34 = arith.constant 8000512 : i32
      %mul3A_35 = arith.muli %shift_right_arithmetic3A_33, %mul3A_34 : i32
      %and3A_36 = arith.constant 7 : i32
      %and3A_37 = arith.andi %scan3A_30, %and3A_36 : i32
      %mul3A_38 = arith.constant 128 : i32
      %mul3A_39 = arith.muli %and3A_37, %mul3A_38 : i32
      %add3A_40 = arith.addi %mul3A_35, %mul3A_39 : i32
      %scan3A_41 = arith.constant 0 : i32
      %scan3A_42 = arith.constant 0 : i32
      %scan3A_43 = arith.constant 32 : i32
      %scan3A_44 = arith.addi %scan3A_42, %scan3A_43 : i32
      %scan3A_45 = arith.constant 1 : i32
      %scan3A_46 = scf.for %scan3A_66 = %scan3A_42 to %scan3A_44 step %scan3A_45 iter_args(%scan3A_67 = %scan3A_41) -> (i32)  : i32 {
        %mul3A_68 = arith.constant 16 : i32
        %mul3A_69 = arith.muli %scan3A_66, %mul3A_68 : i32
        %get3A = arith.index_cast %mul3A_69 : i32 to index
        %get3A_70 = tpu.vector_load %arg8[%get3A] {strides = array<i32>} : memref<512xi32, #tpu.memory_space<vmem>>, vector<16xi32>,
        %get3A_71 = vector.shape_cast %get3A_70 : vector<16xi32> to vector<16xi32>
        %add3A_72 = vector.broadcast %add3A_40 : i32 to vector<16xi32>
        %add3A_73 = arith.addi %get3A_71, %add3A_72 : vector<16xi32>
        %mul3A_74 = arith.constant 16 : i32
        %mul3A_75 = arith.muli %scan3A_66, %mul3A_74 : i32
        %swap3A = arith.index_cast %and3A_32 : i32 to index
        %swap3A_76 = arith.index_cast %mul3A_75 : i32 to index
        %swap3A_77 = tpu.vector_load %arg10[%swap3A, %swap3A_76] {strides = array<i32>} : memref<8x512xi32, #tpu.memory_space<vmem>>, vector<1x16xi32>,
        %swap3A_78 = vector.shape_cast %swap3A_77 : vector<1x16xi32> to vector<16xi32>
        %swap3A_79 = vector.shape_cast %add3A_73 : vector<16xi32> to vector<1x16xi32>
        tpu.vector_store %arg10[%swap3A, %swap3A_76], %swap3A_79 {strides = array<i32>} : memref<8x512xi32, #tpu.memory_space<vmem>>, vector<1x16xi32>,
        %mul3A_80 = arith.constant 16 : i32
        %mul3A_81 = arith.muli %scan3A_66, %mul3A_80 : i32
        %get3A_82 = arith.index_cast %mul3A_81 : i32 to index
        %get3A_83 = tpu.vector_load %arg9[%get3A_82] {strides = array<i32>} : memref<512xi32, #tpu.memory_space<vmem>>, vector<16xi32>,
        %get3A_84 = vector.shape_cast %get3A_83 : vector<16xi32> to vector<16xi32>
        %add3A_85 = vector.broadcast %add3A_40 : i32 to vector<16xi32>
        %add3A_86 = arith.addi %get3A_84, %add3A_85 : vector<16xi32>
        %mul3A_87 = arith.constant 16 : i32
        %mul3A_88 = arith.muli %scan3A_66, %mul3A_87 : i32
        %swap3A_89 = arith.index_cast %and3A_32 : i32 to index
        %swap3A_90 = arith.index_cast %mul3A_88 : i32 to index
        %swap3A_91 = tpu.vector_load %arg11[%swap3A_89, %swap3A_90] {strides = array<i32>} : memref<8x512xi32, #tpu.memory_space<vmem>>, vector<1x16xi32>,
        %swap3A_92 = vector.shape_cast %swap3A_91 : vector<1x16xi32> to vector<16xi32>
        %swap3A_93 = vector.shape_cast %add3A_86 : vector<16xi32> to vector<1x16xi32>
        tpu.vector_store %arg11[%swap3A_89, %swap3A_90], %swap3A_93 {strides = array<i32>} : memref<8x512xi32, #tpu.memory_space<vmem>>, vector<1x16xi32>,
        %scan3A_94 = arith.constant 0 : i32
        scf.yield %scan3A_94 : i32
      }
      %scan3A_47 = arith.constant 32 : i32
      %dma_start3A = arith.constant 0 : i32
      %dma_start3A_48 = tpu.memref_slice %arg12[%scan3A_30, %dma_start3A] : memref<64x512xf32, #tpu.memory_space<vmem>> -> memref<1x512xf32, #tpu.memory_space<vmem>>
      %dma_start3A_49 = tpu.memref_squeeze %dma_start3A_48 : memref<1x512xf32, #tpu.memory_space<vmem>> -> memref<512xf32, #tpu.memory_space<vmem>>
      %dma_start3A_50 = arith.constant 0 : i32
      %dma_start3A_51 = tpu.memref_slice %arg10[%and3A_32, %dma_start3A_50] : memref<8x512xi32, #tpu.memory_space<vmem>> -> memref<1x512xi32, #tpu.memory_space<vmem>>
      %dma_start3A_52 = tpu.memref_squeeze %dma_start3A_51 : memref<1x512xi32, #tpu.memory_space<vmem>> -> memref<512xi32, #tpu.memory_space<vmem>>
      %dma_start3A_53 = arith.constant 0 : i32
      %dma_start3A_54 = tpu.memref_slice %arg2[%dma_start3A_53] : memref<64004096xf32, #tpu.memory_space<hbm>> -> memref<64004096xf32, #tpu.memory_space<hbm>>
      tpu.enqueue_indirect_dma source(%dma_start3A_54 : memref<64004096xf32, #tpu.memory_space<hbm>>) target(%dma_start3A_49 : memref<512xf32, #tpu.memory_space<vmem>>) offsets(%dma_start3A_52 : memref<512xi32, #tpu.memory_space<vmem>>) semaphore(%arg14 : memref<!tpu.dma_semaphore, #tpu.memory_space<semaphore_mem>>)
      %dma_start3A_55 = arith.constant 0 : i32
      %dma_start3A_56 = tpu.memref_slice %arg13[%scan3A_30, %dma_start3A_55] : memref<64x512xf32, #tpu.memory_space<vmem>> -> memref<1x512xf32, #tpu.memory_space<vmem>>
      %dma_start3A_57 = tpu.memref_squeeze %dma_start3A_56 : memref<1x512xf32, #tpu.memory_space<vmem>> -> memref<512xf32, #tpu.memory_space<vmem>>
      %dma_start3A_58 = arith.constant 0 : i32
      %dma_start3A_59 = tpu.memref_slice %arg11[%and3A_32, %dma_start3A_58] : memref<8x512xi32, #tpu.memory_space<vmem>> -> memref<1x512xi32, #tpu.memory_space<vmem>>
      %dma_start3A_60 = tpu.memref_squeeze %dma_start3A_59 : memref<1x512xi32, #tpu.memory_space<vmem>> -> memref<512xi32, #tpu.memory_space<vmem>>
      %dma_start3A_61 = arith.constant 0 : i32
      %dma_start3A_62 = tpu.memref_slice %arg3[%dma_start3A_61] : memref<64004096xf32, #tpu.memory_space<hbm>> -> memref<64004096xf32, #tpu.memory_space<hbm>>
      tpu.enqueue_indirect_dma source(%dma_start3A_62 : memref<64004096xf32, #tpu.memory_space<hbm>>) target(%dma_start3A_57 : memref<512xf32, #tpu.memory_space<vmem>>) offsets(%dma_start3A_60 : memref<512xi32, #tpu.memory_space<vmem>>) semaphore(%arg15 : memref<!tpu.dma_semaphore, #tpu.memory_space<semaphore_mem>>)
      %ge3A = arith.constant 8 : i32
      %ge3A_63 = arith.cmpi sge, %scan3A_30, %ge3A : i32
      %convert_element_type3A = arith.extui %ge3A_63 : i1 to i32
      %cond3A = arith.constant 0 : i32
      %cond3A_64 = arith.cmpi ne, %convert_element_type3A, %cond3A : i32
      scf.if %cond3A_64 {
        %sub3A = arith.constant 8 : i32
        %sub3A_66 = arith.subi %scan3A_30, %sub3A : i32
        %and3A_67 = arith.constant 7 : i32
        %and3A_68 = arith.andi %sub3A_66, %and3A_67 : i32
        %dma_wait3A = arith.constant 0 : i32
        %dma_wait3A_69 = tpu.memref_slice %arg12[%sub3A_66, %dma_wait3A] : memref<64x512xf32, #tpu.memory_space<vmem>> -> memref<1x512xf32, #tpu.memory_space<vmem>>
        %dma_wait3A_70 = tpu.memref_squeeze %dma_wait3A_69 : memref<1x512xf32, #tpu.memory_space<vmem>> -> memref<512xf32, #tpu.memory_space<vmem>>
        %dma_wait3A_71 = arith.constant 0 : i32
        %dma_wait3A_72 = tpu.memref_slice %arg10[%and3A_68, %dma_wait3A_71] : memref<8x512xi32, #tpu.memory_space<vmem>> -> memref<1x512xi32, #tpu.memory_space<vmem>>
        %dma_wait3A_73 = tpu.memref_squeeze %dma_wait3A_72 : memref<1x512xi32, #tpu.memory_space<vmem>> -> memref<512xi32, #tpu.memory_space<vmem>>
        %dma_wait3A_74 = arith.constant 0 : i32
        %dma_wait3A_75 = tpu.memref_slice %arg2[%dma_wait3A_74] : memref<64004096xf32, #tpu.memory_space<hbm>> -> memref<64004096xf32, #tpu.memory_space<hbm>>
        tpu.wait_indirect_dma semaphore(%arg14 : memref<!tpu.dma_semaphore, #tpu.memory_space<semaphore_mem>>) src(%dma_wait3A_75 : memref<64004096xf32, #tpu.memory_space<hbm>>) dst(%dma_wait3A_70 : memref<512xf32, #tpu.memory_space<vmem>>)
        %dma_wait3A_76 = arith.constant 0 : i32
        %dma_wait3A_77 = tpu.memref_slice %arg13[%sub3A_66, %dma_wait3A_76] : memref<64x512xf32, #tpu.memory_space<vmem>> -> memref<1x512xf32, #tpu.memory_space<vmem>>
        %dma_wait3A_78 = tpu.memref_squeeze %dma_wait3A_77 : memref<1x512xf32, #tpu.memory_space<vmem>> -> memref<512xf32, #tpu.memory_space<vmem>>
        %dma_wait3A_79 = arith.constant 0 : i32
        %dma_wait3A_80 = tpu.memref_slice %arg11[%and3A_68, %dma_wait3A_79] : memref<8x512xi32, #tpu.memory_space<vmem>> -> memref<1x512xi32, #tpu.memory_space<vmem>>
        %dma_wait3A_81 = tpu.memref_squeeze %dma_wait3A_80 : memref<1x512xi32, #tpu.memory_space<vmem>> -> memref<512xi32, #tpu.memory_space<vmem>>
        %dma_wait3A_82 = arith.constant 0 : i32
        %dma_wait3A_83 = tpu.memref_slice %arg3[%dma_wait3A_82] : memref<64004096xf32, #tpu.memory_space<hbm>> -> memref<64004096xf32, #tpu.memory_space<hbm>>
        tpu.wait_indirect_dma semaphore(%arg15 : memref<!tpu.dma_semaphore, #tpu.memory_space<semaphore_mem>>) src(%dma_wait3A_83 : memref<64004096xf32, #tpu.memory_space<hbm>>) dst(%dma_wait3A_78 : memref<512xf32, #tpu.memory_space<vmem>>)
      } else {
      }
      %scan3A_65 = arith.constant 0 : i32
      scf.yield %scan3A_65 : i32
    }
    %scan3A_22 = arith.constant 64 : i32
    %scan3A_23 = arith.constant 0 : i32
    %scan3A_24 = arith.constant 0 : i32
    %scan3A_25 = arith.constant 8 : i32
    %scan3A_26 = arith.addi %scan3A_24, %scan3A_25 : i32
    %scan3A_27 = arith.constant 1 : i32
    %scan3A_28 = scf.for %scan3A_30 = %scan3A_24 to %scan3A_26 step %scan3A_27 iter_args(%scan3A_31 = %scan3A_23) -> (i32)  : i32 {
      %add3A_32 = arith.constant 56 : i32
      %add3A_33 = arith.addi %add3A_32, %scan3A_30 : i32
      %and3A = arith.constant 7 : i32
      %and3A_34 = arith.andi %add3A_33, %and3A : i32
      %dma_wait3A = arith.constant 0 : i32
      %dma_wait3A_35 = tpu.memref_slice %arg12[%add3A_33, %dma_wait3A] : memref<64x512xf32, #tpu.memory_space<vmem>> -> memref<1x512xf32, #tpu.memory_space<vmem>>
      %dma_wait3A_36 = tpu.memref_squeeze %dma_wait3A_35 : memref<1x512xf32, #tpu.memory_space<vmem>> -> memref<512xf32, #tpu.memory_space<vmem>>
      %dma_wait3A_37 = arith.constant 0 : i32
      %dma_wait3A_38 = tpu.memref_slice %arg10[%and3A_34, %dma_wait3A_37] : memref<8x512xi32, #tpu.memory_space<vmem>> -> memref<1x512xi32, #tpu.memory_space<vmem>>
      %dma_wait3A_39 = tpu.memref_squeeze %dma_wait3A_38 : memref<1x512xi32, #tpu.memory_space<vmem>> -> memref<512xi32, #tpu.memory_space<vmem>>
      %dma_wait3A_40 = arith.constant 0 : i32
      %dma_wait3A_41 = tpu.memref_slice %arg2[%dma_wait3A_40] : memref<64004096xf32, #tpu.memory_space<hbm>> -> memref<64004096xf32, #tpu.memory_space<hbm>>
      tpu.wait_indirect_dma semaphore(%arg14 : memref<!tpu.dma_semaphore, #tpu.memory_space<semaphore_mem>>) src(%dma_wait3A_41 : memref<64004096xf32, #tpu.memory_space<hbm>>) dst(%dma_wait3A_36 : memref<512xf32, #tpu.memory_space<vmem>>)
      %dma_wait3A_42 = arith.constant 0 : i32
      %dma_wait3A_43 = tpu.memref_slice %arg13[%add3A_33, %dma_wait3A_42] : memref<64x512xf32, #tpu.memory_space<vmem>> -> memref<1x512xf32, #tpu.memory_space<vmem>>
      %dma_wait3A_44 = tpu.memref_squeeze %dma_wait3A_43 : memref<1x512xf32, #tpu.memory_space<vmem>> -> memref<512xf32, #tpu.memory_space<vmem>>
      %dma_wait3A_45 = arith.constant 0 : i32
      %dma_wait3A_46 = tpu.memref_slice %arg11[%and3A_34, %dma_wait3A_45] : memref<8x512xi32, #tpu.memory_space<vmem>> -> memref<1x512xi32, #tpu.memory_space<vmem>>
      %dma_wait3A_47 = tpu.memref_squeeze %dma_wait3A_46 : memref<1x512xi32, #tpu.memory_space<vmem>> -> memref<512xi32, #tpu.memory_space<vmem>>
      %dma_wait3A_48 = arith.constant 0 : i32
      %dma_wait3A_49 = tpu.memref_slice %arg3[%dma_wait3A_48] : memref<64004096xf32, #tpu.memory_space<hbm>> -> memref<64004096xf32, #tpu.memory_space<hbm>>
      tpu.wait_indirect_dma semaphore(%arg15 : memref<!tpu.dma_semaphore, #tpu.memory_space<semaphore_mem>>) src(%dma_wait3A_49 : memref<64004096xf32, #tpu.memory_space<hbm>>) dst(%dma_wait3A_44 : memref<512xf32, #tpu.memory_space<vmem>>)
      %scan3A_50 = arith.constant 0 : i32
      scf.yield %scan3A_50 : i32
    }
    %scan3A_29 = arith.constant 8 : i32
    "tpu.region"() ({
      %run_scoped3A = tpu.sem_alloc : memref<!tpu.dma_semaphore, #tpu.memory_space<semaphore_mem>>
      %dma_start3A = arith.constant 0 : i32
      %dma_start3A_30 = tpu.memref_slice %arg6[%dma_start3A, %mul3A_2] : memref<64x16384xf32, #tpu.memory_space<hbm>> -> memref<64x512xf32, #tpu.memory_space<hbm>>
      %dma_start3A_31 = arith.constant 0 : i32
      %dma_start3A_32 = tpu.memref_slice %arg6[%dma_start3A_31, %mul3A_2] : memref<64x16384xf32, #tpu.memory_space<hbm>> -> memref<64x512xf32, #tpu.memory_space<hbm>>
      tpu.enqueue_dma source(%arg12 : memref<64x512xf32, #tpu.memory_space<vmem>>) target(%dma_start3A_32 : memref<64x512xf32, #tpu.memory_space<hbm>>) target_semaphore(%run_scoped3A : memref<!tpu.dma_semaphore, #tpu.memory_space<semaphore_mem>>)
      %dma_wait3A = arith.constant 0 : i32
      %dma_wait3A_33 = tpu.memref_slice %arg6[%dma_wait3A, %mul3A_2] : memref<64x16384xf32, #tpu.memory_space<hbm>> -> memref<64x512xf32, #tpu.memory_space<hbm>>
      %dma_wait3A_34 = arith.constant 0 : i32
      %dma_wait3A_35 = tpu.memref_slice %arg6[%dma_wait3A_34, %mul3A_2] : memref<64x16384xf32, #tpu.memory_space<hbm>> -> memref<64x512xf32, #tpu.memory_space<hbm>>
      tpu.wait_dma2 semaphore(%run_scoped3A : memref<!tpu.dma_semaphore, #tpu.memory_space<semaphore_mem>>) src(%arg12 : memref<64x512xf32, #tpu.memory_space<vmem>>) dst(%dma_wait3A_35 : memref<64x512xf32, #tpu.memory_space<hbm>>)
      tpu.yield
    }) : () -> ()
    "tpu.region"() ({
      %run_scoped3A = tpu.sem_alloc : memref<!tpu.dma_semaphore, #tpu.memory_space<semaphore_mem>>
      %dma_start3A = arith.constant 0 : i32
      %dma_start3A_30 = tpu.memref_slice %arg7[%dma_start3A, %mul3A_2] : memref<64x16384xf32, #tpu.memory_space<hbm>> -> memref<64x512xf32, #tpu.memory_space<hbm>>
      %dma_start3A_31 = arith.constant 0 : i32
      %dma_start3A_32 = tpu.memref_slice %arg7[%dma_start3A_31, %mul3A_2] : memref<64x16384xf32, #tpu.memory_space<hbm>> -> memref<64x512xf32, #tpu.memory_space<hbm>>
      tpu.enqueue_dma source(%arg13 : memref<64x512xf32, #tpu.memory_space<vmem>>) target(%dma_start3A_32 : memref<64x512xf32, #tpu.memory_space<hbm>>) target_semaphore(%run_scoped3A : memref<!tpu.dma_semaphore, #tpu.memory_space<semaphore_mem>>)
      %dma_wait3A = arith.constant 0 : i32
      %dma_wait3A_33 = tpu.memref_slice %arg7[%dma_wait3A, %mul3A_2] : memref<64x16384xf32, #tpu.memory_space<hbm>> -> memref<64x512xf32, #tpu.memory_space<hbm>>
      %dma_wait3A_34 = arith.constant 0 : i32
      %dma_wait3A_35 = tpu.memref_slice %arg7[%dma_wait3A_34, %mul3A_2] : memref<64x16384xf32, #tpu.memory_space<hbm>> -> memref<64x512xf32, #tpu.memory_space<hbm>>
      tpu.wait_dma2 semaphore(%run_scoped3A : memref<!tpu.dma_semaphore, #tpu.memory_space<semaphore_mem>>) src(%arg13 : memref<64x512xf32, #tpu.memory_space<vmem>>) dst(%dma_wait3A_35 : memref<64x512xf32, #tpu.memory_space<hbm>>)
      tpu.yield
    }) : () -> ()
    return
  }
}

</mosaic_0001>

<sc_bundles>
// kernel: kernel.4.cloned.1.call-start
scs
__scs_entry_jumppad:
0x0: {  	(pc) =	sbr.rel $0x88, $3  }
0x1: {  	(tag) =	ssettag $0x0;
	lr =	simm.s32 $0x1  }
0x2: {  	[smem:$0x3F9D] =	sst lr;
	_ =	strace $0xD0000000  }
0x3: {  	_ = 	snop  }
0x4: {  	_ = 	snop  }
0x5: {  	_ = 	snop  }
0x6: {  	_ = 	snop  }
0x7: {  	_ = 	snop  }
__scs_overlays_trampoline_lowered:
0x8: {  	[smem:$0x3FAC] =	sst s0  }
0x9: {  	[smem:$0x3FAD] =	sst s1  }
0xa: {  	[smem:$0x3FAE] =	sst s2  }
0xb: {  	[smem:$0x3FAF] =	sst s3  }
0xc: {  	[smem:$0x3FB0] =	sst s4  }
0xd: {  	[smem:$0x3FB1] =	sst s5  }
0xe: {  	[smem:$0x3FB2] =	sst s6  }
0xf: {  	[smem:$0x3FB3] =	sst s7  }
0x10: {  	[smem:$0x3FB4] =	sst s8  }
0x11: {  	[smem:$0x3FB5] =	sst s9;
	s0 =	simm.s32 @!p0 $0x0  }
0x12: {  	s1 =	sld [smem:$0x3F9B];
	s0 =	simm.s32 @p0 $0x1  }
0x13: {  	[smem:$0x3FB6] =	sst s0;
	s0 =	simm.s32 @!p1 $0x0  }
0x14: {  	s2 =	sld [smem:$0x3F9A];
	s0 =	simm.s32 @p1 $0x1  }
0x15: {  	[smem:$0x3FB7] =	sst s0;
	s0 =	simm.s32 @!p2 $0x0  }
0x16: {  	s3 =	sld [smem:$0x3FDB];
	s0 =	simm.s32 @p2 $0x1  }
0x17: {  	s4 =	simm.s32 $0x1BF5;
	[smem:$0x3FB9] =	sst s0  }
0x18: {  	s0 =	sld [smem:$0x3F9C];
	_ =	swait.ge [sflag:s4], $0x0  }
0x19: {  	s7 =	sld [smem:$0x3F9D]  }
0x1a: {  	s8 =	sadd.s32 $0xFFFFE003, lr  }
0x1b: {  	s9 =	sadd.s32 $0xFFFFFEF7, lr;
	s5 =	simm.s32 $0xFFFFFFFF;
	p2 =	slt.u32 s8, $0xFFFFF086  }
0x1c: {  	p1 =	slt.u32 s9, $0xF7A;
	s5 =	simm.s32 @!p2 $0x0  }
0x1d: {  	s5 =	simm.s32 @p1 $0x1;
	p0 =	seq.s32 s7, s2  }
0x1e: {  	s7 =	smul.u32 @!p0 $0xF7A, s2;
	p2 =	seq.s32 @!p0 s5, $0x0  }
0x1f: {  	s9 =	smul.u32 $0xF7A, s1;
	s8 =	simm.s32 @!p0 $0x1BF5;
	p2 =	por !p2, p0  }
0x20: {  	[sflag:s8] =	ssyncset.s32 @!p0 $0xFFFFF086;
	s6 =	sadd.s32 @!p0 s3, s7;
	s7 =	simm.s32 @!p0 $0x108  }
0x21: {  	s3 =	sadd.s32 s3, s9;
	s6 =	sadd.s32 @!p0 $0x88, s6;
	s7 =	simm.s32 @p2 $0x1082  }
0x22: {  	[simem:s7], [sflag:s8] =	dma.local @!p0 [hbm:s6], $0xF7A  }
0x23: {  	s9 =	sor.u32 $0xD0000000, s2;
	s6 =	simm.s32 $0x108;
	_ =	swait.ge @!p0 [sflag:s8], $0x0  }
0x24: {  	s3 =	sadd.s32 $0x88, s3;
	s6 =	simm.s32 @!p1 $0x1082;
	[sflag:s4] =	ssyncset.s32 $0xFFFFF086  }
0x25: {  	[simem:s6], [sflag:s4] =	dma.local [hbm:s3], $0xF7A  }
0x26: {  	[smem:$0x3F9D] =	sst s1;
	(tag) =	ssettag s2;
	_ =	strace s9  }
0x27: {  	s1 =	sld [smem:$0x3FAD]  }
0x28: {  	s2 =	sld [smem:$0x3FAE]  }
0x29: {  	s4 =	sld [smem:$0x3FB0]  }
0x2a: {  	p0 =	seq.s32 s5, $0x0;
	s5 =	sld [smem:$0x3FB1]  }
0x2b: {  	s6 =	sld [smem:$0x3FB2]  }
0x2c: {  	s7 =	sld [smem:$0x3FB3]  }
0x2d: {  	s3 =	simm.s32 $0x108;
	s8 =	sld [smem:$0x3FB4]  }
0x2e: {  	s3 =	simm.s32 @!p0 $0x1082;
	s9 =	sld [smem:$0x3FB5]  }
0x2f: {  	lr =	sadd.s32 s0, s3;
	s0 =	sld [smem:$0x3FAC]  }
0x30: {  	s3 =	sld [smem:$0x3FAF]  }
0x31: {  	[smem:$0x3FB8] =	sst s10  }
0x32: {  	s10 =	sld [smem:$0x3FB6];
	_ =	sdelay $0x3  }
0x33: {  	p0 =	seq.s32 s10, $0x1;
	s10 =	sld [smem:$0x3FB8];
	_ =	sdelay $0x3  }
0x34: {  	[smem:$0x3FB8] =	sst s10  }
0x35: {  	s10 =	sld [smem:$0x3FB7];
	_ =	sdelay $0x3  }
0x36: {  	p1 =	seq.s32 s10, $0x1;
	s10 =	sld [smem:$0x3FB8];
	_ =	sdelay $0x3  }
0x37: {  	[smem:$0x3FB8] =	sst s10  }
0x38: {  	s10 =	sld [smem:$0x3FB9]  }
0x39: {  	_ = 	snop;
	(pc) =	sbr.ind lr, $3  }
0x3a: {  	_ = 	snop  }
0x3b: {  	_ = 	snop  }
0x3c: {  	p2 =	seq.s32 s10, $0x1;
	s10 =	sld [smem:$0x3FB8]  }
0x3d: {  	_ =	shalt  }
0x3e: {  	_ =	shalt  }
0x3f: {  	_ =	shalt  }
0x40: {  	_ =	shalt  }
0x41: {  	_ =	shalt  }
0x42: {  	_ =	shalt  }
0x43: {  	_ =	shalt  }
0x44: {  	_ =	shalt  }
0x45: {  	_ =	shalt  }
0x46: {  	_ =	shalt  }
0x47: {  	_ =	shalt  }
0x48: {  	_ =	shalt  }
0x49: {  	_ =	shalt  }
0x4a: {  	_ =	shalt  }
0x4b: {  	_ =	shalt  }
0x4c: {  	_ =	shalt  }
0x4d: {  	_ =	shalt  }
0x4e: {  	_ =	shalt  }
0x4f: {  	_ =	shalt  }
0x50: {  	_ =	shalt  }
0x51: {  	_ =	shalt  }
0x52: {  	_ =	shalt  }
0x53: {  	_ =	shalt  }
0x54: {  	_ =	shalt  }
0x55: {  	_ =	shalt  }
0x56: {  	_ =	shalt  }
0x57: {  	_ =	shalt  }
0x58: {  	_ =	shalt  }
0x59: {  	_ =	shalt  }
0x5a: {  	_ =	shalt  }
0x5b: {  	_ =	shalt  }
0x5c: {  	_ =	shalt  }
0x5d: {  	_ =	shalt  }
0x5e: {  	_ =	shalt  }
0x5f: {  	_ =	shalt  }
0x60: {  	_ =	shalt  }
0x61: {  	_ =	shalt  }
0x62: {  	_ =	shalt  }
0x63: {  	_ =	shalt  }
0x64: {  	_ =	shalt  }
0x65: {  	_ =	shalt  }
0x66: {  	_ =	shalt  }
0x67: {  	_ =	shalt  }
0x68: {  	_ =	shalt  }
0x69: {  	_ =	shalt  }
0x6a: {  	_ =	shalt  }
0x6b: {  	_ =	shalt  }
0x6c: {  	_ =	shalt  }
0x6d: {  	_ =	shalt  }
0x6e: {  	_ =	shalt  }
0x6f: {  	_ =	shalt  }
0x70: {  	_ =	shalt  }
0x71: {  	_ =	shalt  }
0x72: {  	_ =	shalt  }
0x73: {  	_ =	shalt  }
0x74: {  	_ =	shalt  }
0x75: {  	_ =	shalt  }
0x76: {  	_ =	shalt  }
0x77: {  	_ =	shalt  }
0x78: {  	_ =	shalt  }
0x79: {  	_ =	shalt  }
0x7a: {  	_ =	shalt  }
0x7b: {  	_ =	shalt  }
0x7c: {  	_ =	shalt  }
0x7d: {  	_ =	shalt  }
0x7e: {  	_ =	shalt  }
0x7f: {  	_ =	shalt  }
0x80: {  	_ =	shalt  }
0x81: {  	_ =	shalt  }
0x82: {  	_ =	shalt  }
0x83: {  	_ =	shalt  }
0x84: {  	_ =	shalt  }
0x85: {  	_ =	shalt  }
0x86: {  	_ =	shalt  }
0x87: {  	_ =	shalt  }
.Lfunc_end0:
.L_simem_size_0:
called_computation_lowered:
.L_overlay_start_0:
0x88: {  	s2 =	sld [smem:$0x3FD9]  }
0x89: {  	s3 =	sld [smem:$0x3FFE];
	_ =	sdelay $0x1  }
0x8a: {  	s1 =	srdreg.scid  }
0x8b: {  	s0 =	sand.u32 $0x1, s1  }
0x8c: {  	s17 =	sshll.u32 s0, $0xA;
	s2 =	sadd.s32 s3, s2  }
0x8d: {  	s2 =	sadd.s32 s2, s17  }
0x8e: {  	[smem:$0x3FC4] =	sst s2  }
0x8f: {  	_ = 	snop  }
0x90: {  	s2 =	sld [smem:$0x3FC9]  }
0x91: {  	s18 =	sld [smem:$0x3FC8];
	(tm) =	ssettm $0x1  }
0x92: {  	s4 =	sld [smem:$0x3FFB];
	_ =	sdelay $0x3  }
0x93: {  	_ =	strace s4  }
0x94: {  	s4 =	sld [smem:$0x3FFC];
	_ =	sdelay $0x3  }
0x95: {  	_ =	strace s4  }
0x96: {  	s4 =	sld [smem:$0x3FFD];
	_ =	sdelay $0x3  }
0x97: {  	_ =	strace s4  }
0x98: {  	_ =	strace $0x8FFFFFFF  }
0x99: {  	s19 =	sld [smem:$0x3FDB];
	_ =	sdelay $0x1  }
0x9a: {  	s5 =	simm.s32 $_scs_section_size  }
0x9b: {  	s6 =	simm.s32 $_size__tile_overlayer_lowered;
	s7 =	simm.s32 $_tile_overlayer_lowered  }
0x9c: {  	s22 =	simm.s32 $0x1BFF;
	s21 =	sshll.u32 s7, $0x1;
	s4 =	sadd.s32 s5, s19  }
0x9d: {  	s8 =	simm.s32 $0x0;
	s20 =	sshll.u32 s6, $0x1;
	s6 =	sadd.s32 s21, s4  }
0x9e: {  	[timem:s8], [sflag:s22] =	dma.local [hbm:s6], s20  }
0x9f: {  	_ =	swait.ge [sflag:s22], s20  }
0xa0: {  	s5 =	ssub.s32 $0x0, s20;
	[sflag:s22] =	ssyncset.done $0x0  }
0xa1: {  	[sflag:s22] =	ssyncadd.s32 s5;
	_ =	sdelay $0x1  }
0xa2: {  	s23 =	simm.s32 $0x1B8B  }
0xa3: {  	_ =	swait.ge [sflag:s23], $0x1  }
0xa4: {  	[sflag:s23] =	ssyncset.done $0x0  }
0xa5: {  	s25 =	simm.s32 $0x1B8E;
	s24 =	sld [smem:$0x3FFE];
	[sflag:s23] =	ssyncadd.s32 $0xFFFFFFFF  }
0xa6: {  	s26 =	simm.s32 $execute0_lowered;
	[smem:$0x3FD2] =	sst s25  }
0xa7: {  	s6 =	sshll.u32 s26, $0x1;
	_ =	strace $0x80000046;
	[dreg:$0x1] =	wrdreg $0xFFFFFFFF  }
0xa8: {  	s28 =	simm.s32 $_size_execute0_lowered;
	s4 =	sadd.s32 s4, s6;
	[dreg:$0x0] =	wrdreg $0x0  }
0xa9: {  	s6 =	sshll.u32 s28, $0x1;
	[dreg:$0x2] =	wrdreg s4  }
0xaa: {  	[dreg:$0x3] =	wrdreg s6  }
0xab: {  	[dreg:$0x4] =	wrdreg $0xC0  }
0xac: {  	_ =	task [dreg:s8], $0x5FFFF  }
0xad: {  	[dreg:$0x1] =	wrdreg $0xFFFFFFFF  }
0xae: {  	[dreg:$0x0] =	wrdreg $0x60  }
0xaf: {  	[dreg:$0x2] =	wrdreg s2  }
0xb0: {  	[dreg:$0x3] =	wrdreg s18  }
0xb1: {  	[dreg:$0x4] =	wrdreg s24  }
0xb2: {  	[dreg:$0x5] =	wrdreg $0x9  }
0xb3: {  	_ =	task.clear_ibuf [dreg:s8], $0x6FFFF;
	_ =	strace $0x90000046  }
0xb4: {  	s29 =	simm.s32 $0x9;
	_ =	strace $0x80000048  }
0xb5: {  	_ =	swait.ge [sflag:s29], $0x1  }
0xb6: {  	[sflag:s29] =	ssyncadd.s32 $0xFFFFFFFF  }
0xb7: {  	_ =	strace $0x90000048  }
0xb8: {  	_ =	sfence  }
0xb9: {  	s30 =	sld [smem:$0x0];
	_ =	sdelay $0x2  }
0xba: {  	s31 =	sshll.u32 s1, $0xD;
	s1 =	sshrl.u32 s1, $0x2  }
0xbb: {  	s3 =	sand.u32 $0x4000, s31;
	s1 =	sadd.s32 s1, s30  }
0xbc: {  	s0 =	sor.u32 s3, s0;
	s1 =	sshll.u32 s1, $0x11  }
0xbd: {  	s0 =	sor.u32 s1, s0  }
0xbe: {  	s0 =	sadd.s32 $0x8F2B, s0  }
0xbf: {  	[sflag:s0] =	ssyncadd.remote.s32 $0x1  }
0xc0: {  	_ =	sfence.sel $0xFFFF  }
0xc1: {  	[dreg:$0x0] =	wrdreg $0xFFFFFFFF;
	(pc) =	sbr.abs _section_cstart, $3  }
0xc2: {  	[dreg:$0x1] =	wrdreg $0xFFFFFFFF  }
0xc3: {  	_ =	task.clear_ibuf [dreg:s8], $0x2FFFF;
	_ =	strace $0x9FFFFFFF  }
0xc4: {  	(tm) =	ssettm $0x7FFFFFFF  }
0xc5: {  	_ =	shalt  }
tec
execute0_lowered:
.L_overlay_start_1:
0x0: {  	(tag) =	ssettag $0x1  }
0x1: {  	s11 =	rddreg [dreg:$0x0]  }
0x2: {  	s10 =	rddreg [dreg:$0x1]  }
0x3: {  	s2 =	rddreg [dreg:$0x2]  }
0x4: {  	s0 =	rddreg [dreg:$0x3];
	s1 =	simm.s32 $0x0;
	s3 =	srdreg.scid  }
0x5: {  	s9 =	sadd.s32 $0x1000, s2;
	s8 =	sadd.s32 $0x7A2400, s2;
	s2 =	stileid.u32  }
0x6: {  	[smem:$0x7FF] =	sst s1;
	s7 =	sand.u32 $0x1, s3;
	s12 =	smul.u32 $0x7A100, s2  }
0x7: {  	_ =	strace $0x80000047;
	s3 =	ssub.s32 $0x2, s7;
	s14 =	smul.u32 $0x3D0800, s2  }
0x8: {  	s4 =	sshll.u32 s2, $0x8;
	s5 =	sshll.u32 s7, $0x7;
	s15 =	smul.u32 $0x1E8400, s7  }
0x9: {  	s16 =	smul.u32 $0x3D080, s7;
	s31 =	sshll.u32 s2, $0x6;
	s6 =	sshrl.u32 s3, $0x1  }
0xa: {  	p0 =	sgt.u32 s2, $0x3;
	s4 =	sor.u32 s5, s4;
	s13 =	ssub.s32 s3, s6  }
0xb: {  	s28 =	sor.u32 $0x7A1000, s4;
	s29 =	sadd.s32 s15, s14;
	s14 =	simm.s32 $0x1  }
0xc: {  	s15 =	simm.s32 $0x2;
	s3 =	sadd.s32 s11, s28;
	s4 =	sadd.s32 s9, s28  }
0xd: {  	s5 =	sadd.s32 s10, s28;
	s6 =	sadd.s32 s8, s28;
	s7 =	smax.u32 s13, $0x1  }
0xe: {  	s8 =	sadd.s32 s12, s8;
	s9 =	sadd.s32 s12, s9;
	s30 =	sshrl.u32 s29, $0x3  }
0xf: {  	s12 =	sor.u32 $0x1C01, s31;
	s13 =	sor.u32 $0x1C02, s31;
	s8 =	sadd.s32 s16, s8  }
0x10: {  	s9 =	sadd.s32 s16, s9;
	s10 =	sadd.s32 s30, s10;
	s11 =	sadd.s32 s30, s11  }
.LBB2_1:
0x11: {  	p1 =	por $0x1, $0x1  }
0x12: {  	[hbm:s9], [sflag:s12] =	dma.local [hbm:s11], $0x80  }
0x13: {  	[hbm:s8], [sflag:s13] =	dma.local [hbm:s10], $0x80  }
0x14: {  	s17 =	simm.s32 @!p1 $0x1  }
0x15: {  	_ =	swait.ge @!p1 [sflag:s17], $0x80  }
0x16: {  	[sflag:s17] =	ssyncset.done @!p1 $0x0  }
0x17: {  	s16 =	simm.s32 $0x1;
	s21 =	simm.s32 @!p1 $0x2;
	[sflag:s17] =	ssyncadd.s32 @!p1 $0xFFFFFF80  }
0x18: {  	s18 =	sadd.s32 $0x80, s11;
	s19 =	sadd.s32 $0x80, s8;
	_ =	swait.ge @!p1 [sflag:s21], $0x80  }
0x19: {  	s20 =	sadd.s32 $0x80, s9;
	s17 =	sadd.s32 $0x80, s10;
	[sflag:s21] =	ssyncset.done @!p1 $0x0  }
.LBB2_2:
0x1a: {  	[sflag:s21] =	ssyncadd.s32 @!p1 $0xFFFFFF80;
	p1 =	slt.u32 s16, $0x8;
	s16 =	sadd.s32 $0x1, s16  }
0x1b: {  	[hbm:s20], [sflag:s12] =	dma.local [hbm:s18], $0x80  }
0x1c: {  	[hbm:s19], [sflag:s13] =	dma.local [hbm:s17], $0x80  }
0x1d: {  	s21 =	simm.s32 @!p1 $0x1;
	p2 =	sne.s32 s16, $0x7A1  }
.Ltmp0:
0x1e: {  	_ =	swait.ge @!p1 [sflag:s21], $0x80;
	(pc) =	sbr.rel @p2 .LBB2_2-.Ltmp0, $4  }
0x1f: {  	[sflag:s21] =	ssyncset.done @!p1 $0x0  }
0x20: {  	[sflag:s21] =	ssyncadd.s32 @!p1 $0xFFFFFF80;
	s21 =	simm.s32 @!p1 $0x2  }
0x21: {  	s18 =	sadd.s32 $0x80, s18;
	s17 =	sadd.s32 $0x80, s17;
	_ =	swait.ge @!p1 [sflag:s21], $0x80  }
0x22: {  	s20 =	sadd.s32 $0x80, s20;
	s19 =	sadd.s32 $0x80, s19;
	[sflag:s21] =	ssyncset.done @!p1 $0x0  }
0x23: {  	[sflag:s21] =	ssyncadd.s32 @!p1 $0xFFFFFF80  }
0x24: {  	_ =	swait.ge [sflag:s14], $0x80  }
0x25: {  	[sflag:s14] =	ssyncset.done $0x0  }
0x26: {  	[sflag:s14] =	ssyncadd.s32 $0xFFFFFF80  }
0x27: {  	_ =	swait.ge [sflag:s15], $0x80  }
0x28: {  	[sflag:s15] =	ssyncset.done $0x0  }
0x29: {  	[sflag:s15] =	ssyncadd.s32 $0xFFFFFF80  }
0x2a: {  	_ =	swait.ge [sflag:s14], $0x80  }
0x2b: {  	[sflag:s14] =	ssyncset.done $0x0  }
0x2c: {  	[sflag:s14] =	ssyncadd.s32 $0xFFFFFF80  }
0x2d: {  	_ =	swait.ge [sflag:s15], $0x80  }
0x2e: {  	[sflag:s15] =	ssyncset.done $0x0  }
0x2f: {  	[sflag:s15] =	ssyncadd.s32 $0xFFFFFF80  }
0x30: {  	_ =	swait.ge [sflag:s14], $0x80  }
0x31: {  	[sflag:s14] =	ssyncset.done $0x0  }
0x32: {  	[sflag:s14] =	ssyncadd.s32 $0xFFFFFF80  }
0x33: {  	_ =	swait.ge [sflag:s15], $0x80  }
0x34: {  	[sflag:s15] =	ssyncset.done $0x0  }
0x35: {  	[sflag:s15] =	ssyncadd.s32 $0xFFFFFF80  }
0x36: {  	_ =	swait.ge [sflag:s14], $0x80  }
0x37: {  	[sflag:s14] =	ssyncset.done $0x0  }
0x38: {  	[sflag:s14] =	ssyncadd.s32 $0xFFFFFF80  }
0x39: {  	_ =	swait.ge [sflag:s15], $0x80  }
0x3a: {  	[sflag:s15] =	ssyncset.done $0x0  }
0x3b: {  	[sflag:s15] =	ssyncadd.s32 $0xFFFFFF80  }
0x3c: {  	_ =	swait.ge [sflag:s14], $0x80  }
0x3d: {  	[sflag:s14] =	ssyncset.done $0x0  }
0x3e: {  	[sflag:s14] =	ssyncadd.s32 $0xFFFFFF80  }
0x3f: {  	_ =	swait.ge [sflag:s15], $0x80  }
0x40: {  	[sflag:s15] =	ssyncset.done $0x0  }
0x41: {  	[sflag:s15] =	ssyncadd.s32 $0xFFFFFF80  }
0x42: {  	_ =	swait.ge [sflag:s14], $0x80  }
0x43: {  	[sflag:s14] =	ssyncset.done $0x0  }
0x44: {  	[sflag:s14] =	ssyncadd.s32 $0xFFFFFF80  }
0x45: {  	_ =	swait.ge [sflag:s15], $0x80  }
0x46: {  	[sflag:s15] =	ssyncset.done $0x0  }
0x47: {  	[sflag:s15] =	ssyncadd.s32 $0xFFFFFF80  }
0x48: {  	_ =	swait.ge [sflag:s14], $0x80  }
0x49: {  	[sflag:s14] =	ssyncset.done $0x0  }
0x4a: {  	[sflag:s14] =	ssyncadd.s32 $0xFFFFFF80  }
0x4b: {  	_ =	swait.ge [sflag:s15], $0x80  }
0x4c: {  	[sflag:s15] =	ssyncset.done $0x0  }
0x4d: {  	[sflag:s15] =	ssyncadd.s32 $0xFFFFFF80  }
0x4e: {  	_ =	swait.ge [sflag:s14], $0x80  }
0x4f: {  	[sflag:s14] =	ssyncset.done $0x0  }
0x50: {  	[sflag:s14] =	ssyncadd.s32 $0xFFFFFF80  }
0x51: {  	_ =	swait.ge [sflag:s15], $0x80  }
0x52: {  	[sflag:s15] =	ssyncset.done $0x0  }
0x53: {  	s16 =	simm.s32 @!p0 $0x1;
	s1 =	sadd.s32 $0x1, s1;
	[sflag:s15] =	ssyncadd.s32 $0xFFFFFF80  }
0x54: {  	[hbm:s4], [sflag:s12] =	dma.local @!p0 [hbm:s3], $0x80  }
0x55: {  	[hbm:s6], [sflag:s13] =	dma.local @!p0 [hbm:s5], $0x80  }
0x56: {  	p1 =	sne.s32 s1, s7;
	_ =	swait.ge @!p0 [sflag:s16], $0x80  }
.Ltmp1:
0x57: {  	[sflag:s16] =	ssyncset.done @!p0 $0x0;
	(pc) =	sbr.rel @p1 .LBB2_1-.Ltmp1, $4  }
0x58: {  	[sflag:s16] =	ssyncadd.s32 @!p0 $0xFFFFFF80;
	s16 =	simm.s32 @!p0 $0x2  }
0x59: {  	_ =	swait.ge @!p0 [sflag:s16], $0x80  }
0x5a: {  	[sflag:s16] =	ssyncset.done @!p0 $0x0  }
0x5b: {  	[sflag:s16] =	ssyncadd.s32 @!p0 $0xFFFFFF80  }
0x5c: {  	_ =	sfence.sel $0x180000  }
0x5d: {  	[bflag:$0x0] =	sbarrier.arrive $0xFFFF  }
0x5e: {  	p0 =	sne.s32 s2, $0x0;
	_ =	strace $0x90000047  }
0x5f: {  	s0 =	sadd.s32 @!p0 $0x100000, s0;
	[bflag:$0x2] =	sbarrier.arrive $0xFFFF  }
0x60: {  	[sflag:s0] =	ssyncadd.tile.s32 @!p0 $0x1;
	_ =	shalt  }
.Lfunc_end2:
_tile_overlayer_lowered:
.L_overlay_start_2:
0x61: {  	(tag) =	ssettag $0x2  }
0x62: {  	s0 =	rddreg [dreg:$0x0];
	s2 =	stileid.u32  }
0x63: {  	s1 =	rddreg [dreg:$0x1];
	p0 =	sne.s32 s2, $0x0  }
0x64: {  	s3 =	rddreg [dreg:$0x2];
	[bflag:$0x3] =	sbarrier.arrive $0xFFFF;
	s2 =	simm.s32 @!p0 $0x1C03  }
0x65: {  	[timem:s3], [sflag:s2] =	dma.local @!p0 [hbm:s0], s1  }
0x66: {  	s0 =	simm.s32 @!p0 $0x3  }
0x67: {  	_ =	swait.ge @!p0 [sflag:s0], s1  }
0x68: {  	s1 =	ssub.s32 @!p0 $0x0, s1;
	[sflag:s0] =	ssyncset.done @!p0 $0x0  }
0x69: {  	[sflag:s0] =	ssyncadd.s32 @!p0 s1  }
0x6a: {  	[bflag:$0x3] =	sbarrier.arrive $0xFFFF  }
0x6b: {  	_ =	shalt  }

// kernel: kernel.7.cloned.1.call-start
scs
__scs_entry_jumppad:
0x0: {  	(pc) =	sbr.rel $0x88, $3  }
0x1: {  	(tag) =	ssettag $0x0;
	lr =	simm.s32 $0x1  }
0x2: {  	[smem:$0x3F9D] =	sst lr;
	_ =	strace $0xD0000000  }
0x3: {  	_ = 	snop  }
0x4: {  	_ = 	snop  }
0x5: {  	_ = 	snop  }
0x6: {  	_ = 	snop  }
0x7: {  	_ = 	snop  }
__scs_overlays_trampoline_lowered:
0x8: {  	[smem:$0x3FAC] =	sst s0  }
0x9: {  	[smem:$0x3FAD] =	sst s1  }
0xa: {  	[smem:$0x3FAE] =	sst s2  }
0xb: {  	[smem:$0x3FAF] =	sst s3  }
0xc: {  	[smem:$0x3FB0] =	sst s4  }
0xd: {  	[smem:$0x3FB1] =	sst s5  }
0xe: {  	[smem:$0x3FB2] =	sst s6  }
0xf: {  	[smem:$0x3FB3] =	sst s7  }
0x10: {  	[smem:$0x3FB4] =	sst s8  }
0x11: {  	[smem:$0x3FB5] =	sst s9;
	s0 =	simm.s32 @!p0 $0x0  }
0x12: {  	s1 =	sld [smem:$0x3F9B];
	s0 =	simm.s32 @p0 $0x1  }
0x13: {  	[smem:$0x3FB6] =	sst s0;
	s0 =	simm.s32 @!p1 $0x0  }
0x14: {  	s2 =	sld [smem:$0x3F9A];
	s0 =	simm.s32 @p1 $0x1  }
0x15: {  	[smem:$0x3FB7] =	sst s0;
	s0 =	simm.s32 @!p2 $0x0  }
0x16: {  	s3 =	sld [smem:$0x3FDB];
	s0 =	simm.s32 @p2 $0x1  }
0x17: {  	s4 =	simm.s32 $0x1BF5;
	[smem:$0x3FB9] =	sst s0  }
0x18: {  	s0 =	sld [smem:$0x3F9C];
	_ =	swait.ge [sflag:s4], $0x0  }
0x19: {  	s7 =	sld [smem:$0x3F9D]  }
0x1a: {  	s8 =	sadd.s32 $0xFFFFE003, lr  }
0x1b: {  	s9 =	sadd.s32 $0xFFFFFEF7, lr;
	s5 =	simm.s32 $0xFFFFFFFF;
	p2 =	slt.u32 s8, $0xFFFFF086  }
0x1c: {  	p1 =	slt.u32 s9, $0xF7A;
	s5 =	simm.s32 @!p2 $0x0  }
0x1d: {  	s5 =	simm.s32 @p1 $0x1;
	p0 =	seq.s32 s7, s2  }
0x1e: {  	s7 =	smul.u32 @!p0 $0xF7A, s2;
	p2 =	seq.s32 @!p0 s5, $0x0  }
0x1f: {  	s9 =	smul.u32 $0xF7A, s1;
	s8 =	simm.s32 @!p0 $0x1BF5;
	p2 =	por !p2, p0  }
0x20: {  	[sflag:s8] =	ssyncset.s32 @!p0 $0xFFFFF086;
	s6 =	sadd.s32 @!p0 s3, s7;
	s7 =	simm.s32 @!p0 $0x108  }
0x21: {  	s3 =	sadd.s32 s3, s9;
	s6 =	sadd.s32 @!p0 $0x88, s6;
	s7 =	simm.s32 @p2 $0x1082  }
0x22: {  	[simem:s7], [sflag:s8] =	dma.local @!p0 [hbm:s6], $0xF7A  }
0x23: {  	s9 =	sor.u32 $0xD0000000, s2;
	s6 =	simm.s32 $0x108;
	_ =	swait.ge @!p0 [sflag:s8], $0x0  }
0x24: {  	s3 =	sadd.s32 $0x88, s3;
	s6 =	simm.s32 @!p1 $0x1082;
	[sflag:s4] =	ssyncset.s32 $0xFFFFF086  }
0x25: {  	[simem:s6], [sflag:s4] =	dma.local [hbm:s3], $0xF7A  }
0x26: {  	[smem:$0x3F9D] =	sst s1;
	(tag) =	ssettag s2;
	_ =	strace s9  }
0x27: {  	s1 =	sld [smem:$0x3FAD]  }
0x28: {  	s2 =	sld [smem:$0x3FAE]  }
0x29: {  	s4 =	sld [smem:$0x3FB0]  }
0x2a: {  	p0 =	seq.s32 s5, $0x0;
	s5 =	sld [smem:$0x3FB1]  }
0x2b: {  	s6 =	sld [smem:$0x3FB2]  }
0x2c: {  	s7 =	sld [smem:$0x3FB3]  }
0x2d: {  	s3 =	simm.s32 $0x108;
	s8 =	sld [smem:$0x3FB4]  }
0x2e: {  	s3 =	simm.s32 @!p0 $0x1082;
	s9 =	sld [smem:$0x3FB5]  }
0x2f: {  	lr =	sadd.s32 s0, s3;
	s0 =	sld [smem:$0x3FAC]  }
0x30: {  	s3 =	sld [smem:$0x3FAF]  }
0x31: {  	[smem:$0x3FB8] =	sst s10  }
0x32: {  	s10 =	sld [smem:$0x3FB6];
	_ =	sdelay $0x3  }
0x33: {  	p0 =	seq.s32 s10, $0x1;
	s10 =	sld [smem:$0x3FB8];
	_ =	sdelay $0x3  }
0x34: {  	[smem:$0x3FB8] =	sst s10  }
0x35: {  	s10 =	sld [smem:$0x3FB7];
	_ =	sdelay $0x3  }
0x36: {  	p1 =	seq.s32 s10, $0x1;
	s10 =	sld [smem:$0x3FB8];
	_ =	sdelay $0x3  }
0x37: {  	[smem:$0x3FB8] =	sst s10  }
0x38: {  	s10 =	sld [smem:$0x3FB9]  }
0x39: {  	_ = 	snop;
	(pc) =	sbr.ind lr, $3  }
0x3a: {  	_ = 	snop  }
0x3b: {  	_ = 	snop  }
0x3c: {  	p2 =	seq.s32 s10, $0x1;
	s10 =	sld [smem:$0x3FB8]  }
0x3d: {  	_ =	shalt  }
0x3e: {  	_ =	shalt  }
0x3f: {  	_ =	shalt  }
0x40: {  	_ =	shalt  }
0x41: {  	_ =	shalt  }
0x42: {  	_ =	shalt  }
0x43: {  	_ =	shalt  }
0x44: {  	_ =	shalt  }
0x45: {  	_ =	shalt  }
0x46: {  	_ =	shalt  }
0x47: {  	_ =	shalt  }
0x48: {  	_ =	shalt  }
0x49: {  	_ =	shalt  }
0x4a: {  	_ =	shalt  }
0x4b: {  	_ =	shalt  }
0x4c: {  	_ =	shalt  }
0x4d: {  	_ =	shalt  }
0x4e: {  	_ =	shalt  }
0x4f: {  	_ =	shalt  }
0x50: {  	_ =	shalt  }
0x51: {  	_ =	shalt  }
0x52: {  	_ =	shalt  }
0x53: {  	_ =	shalt  }
0x54: {  	_ =	shalt  }
0x55: {  	_ =	shalt  }
0x56: {  	_ =	shalt  }
0x57: {  	_ =	shalt  }
0x58: {  	_ =	shalt  }
0x59: {  	_ =	shalt  }
0x5a: {  	_ =	shalt  }
0x5b: {  	_ =	shalt  }
0x5c: {  	_ =	shalt  }
0x5d: {  	_ =	shalt  }
0x5e: {  	_ =	shalt  }
0x5f: {  	_ =	shalt  }
0x60: {  	_ =	shalt  }
0x61: {  	_ =	shalt  }
0x62: {  	_ =	shalt  }
0x63: {  	_ =	shalt  }
0x64: {  	_ =	shalt  }
0x65: {  	_ =	shalt  }
0x66: {  	_ =	shalt  }
0x67: {  	_ =	shalt  }
0x68: {  	_ =	shalt  }
0x69: {  	_ =	shalt  }
0x6a: {  	_ =	shalt  }
0x6b: {  	_ =	shalt  }
0x6c: {  	_ =	shalt  }
0x6d: {  	_ =	shalt  }
0x6e: {  	_ =	shalt  }
0x6f: {  	_ =	shalt  }
0x70: {  	_ =	shalt  }
0x71: {  	_ =	shalt  }
0x72: {  	_ =	shalt  }
0x73: {  	_ =	shalt  }
0x74: {  	_ =	shalt  }
0x75: {  	_ =	shalt  }
0x76: {  	_ =	shalt  }
0x77: {  	_ =	shalt  }
0x78: {  	_ =	shalt  }
0x79: {  	_ =	shalt  }
0x7a: {  	_ =	shalt  }
0x7b: {  	_ =	shalt  }
0x7c: {  	_ =	shalt  }
0x7d: {  	_ =	shalt  }
0x7e: {  	_ =	shalt  }
0x7f: {  	_ =	shalt  }
0x80: {  	_ =	shalt  }
0x81: {  	_ =	shalt  }
0x82: {  	_ =	shalt  }
0x83: {  	_ =	shalt  }
0x84: {  	_ =	shalt  }
0x85: {  	_ =	shalt  }
0x86: {  	_ =	shalt  }
0x87: {  	_ =	shalt  }
.Lfunc_end0:
.L_simem_size_0:
called_computation.1_lowered:
.L_overlay_start_0:
0x88: {  	s2 =	sld [smem:$0x3FD9]  }
0x89: {  	s3 =	sld [smem:$0x3FFE];
	_ =	sdelay $0x1  }
0x8a: {  	s1 =	srdreg.scid  }
0x8b: {  	s0 =	sand.u32 $0x1, s1  }
0x8c: {  	s14 =	sshll.u32 s0, $0xA;
	s2 =	sadd.s32 s3, s2  }
0x8d: {  	s2 =	sadd.s32 s2, s14  }
0x8e: {  	[smem:$0x3FC4] =	sst s2  }
0x8f: {  	_ = 	snop  }
0x90: {  	s2 =	sld [smem:$0x3FD0];
	_ =	sdelay $0x1  }
0x91: {  	s15 =	sld [smem:$0x3FC7]  }
0x92: {  	s5 =	simm.s32 $0xA;
	s6 =	simm.s32 $0x10;
	s4 =	sld [smem:$0x3FC6]  }
0x93: {  	[smem:s6], [sflag:s5] =	dma.local [hbm:s2], $0x1  }
0x94: {  	_ =	swait.eq [sflag:s5], $0x1  }
0x95: {  	[sflag:s5] =	ssyncset.done $0x0  }
0x96: {  	[sflag:s5] =	ssyncadd.s32 $0xFFFFFFFF  }
0x97: {  	s16 =	sld [smem:$0x11];
	(tm) =	ssettm $0x1  }
0x98: {  	s17 =	sld [smem:$0x3FFB];
	_ =	sdelay $0x3  }
0x99: {  	_ =	strace s17  }
0x9a: {  	s5 =	sld [smem:$0x3FFC];
	_ =	sdelay $0x3  }
0x9b: {  	_ =	strace s5  }
0x9c: {  	s5 =	sld [smem:$0x3FFD];
	_ =	sdelay $0x3  }
0x9d: {  	_ =	strace s5  }
0x9e: {  	_ =	strace $0x8FFFFFFF  }
0x9f: {  	s18 =	sld [smem:$0x3FDB];
	_ =	sdelay $0x1  }
0xa0: {  	s19 =	simm.s32 $_scs_section_size  }
0xa1: {  	s7 =	simm.s32 $_size__tile_overlayer_lowered;
	s8 =	simm.s32 $_tile_overlayer_lowered  }
0xa2: {  	s22 =	simm.s32 $0x1BFF;
	s21 =	sshll.u32 s8, $0x1;
	s5 =	sadd.s32 s19, s18  }
0xa3: {  	s9 =	simm.s32 $0x0;
	s20 =	sshll.u32 s7, $0x1;
	s7 =	sadd.s32 s21, s5  }
0xa4: {  	[timem:s9], [sflag:s22] =	dma.local [hbm:s7], s20  }
0xa5: {  	_ =	swait.ge [sflag:s22], s20  }
0xa6: {  	s6 =	ssub.s32 $0x0, s20;
	[sflag:s22] =	ssyncset.done $0x0  }
0xa7: {  	[sflag:s22] =	ssyncadd.s32 s6;
	_ =	sdelay $0x1  }
0xa8: {  	s23 =	simm.s32 $0x1B8B  }
0xa9: {  	_ =	swait.ge [sflag:s23], $0x1  }
0xaa: {  	[sflag:s23] =	ssyncset.done $0x0  }
0xab: {  	s25 =	simm.s32 $0x1B8E;
	s24 =	sld [smem:$0x3FFE];
	[sflag:s23] =	ssyncadd.s32 $0xFFFFFFFF  }
0xac: {  	s26 =	simm.s32 $execute0_lowered;
	[smem:$0x3FD2] =	sst s25  }
0xad: {  	s7 =	sshll.u32 s26, $0x1;
	_ =	strace $0x80000049;
	[dreg:$0x1] =	wrdreg $0xFFFFFFFF  }
0xae: {  	s28 =	simm.s32 $_size_execute0_lowered;
	s5 =	sadd.s32 s5, s7;
	[dreg:$0x0] =	wrdreg $0x0  }
0xaf: {  	s7 =	sshll.u32 s28, $0x1;
	[dreg:$0x2] =	wrdreg s5  }
0xb0: {  	[dreg:$0x3] =	wrdreg s7  }
0xb1: {  	[dreg:$0x4] =	wrdreg $0xC0  }
0xb2: {  	_ =	task [dreg:s9], $0x5FFFF  }
0xb3: {  	[dreg:$0x1] =	wrdreg $0xFFFFFFFF  }
0xb4: {  	[dreg:$0x0] =	wrdreg $0x60  }
0xb5: {  	[dreg:$0x2] =	wrdreg s24  }
0xb6: {  	[dreg:$0x3] =	wrdreg s15  }
0xb7: {  	[dreg:$0x4] =	wrdreg s4  }
0xb8: {  	[dreg:$0x5] =	wrdreg s16  }
0xb9: {  	[dreg:$0x6] =	wrdreg $0x9  }
0xba: {  	_ =	task.clear_ibuf [dreg:s9], $0x7FFFF;
	_ =	strace $0x90000049  }
0xbb: {  	s29 =	simm.s32 $0x9;
	_ =	strace $0x8000004B  }
0xbc: {  	_ =	swait.ge [sflag:s29], $0x1  }
0xbd: {  	[sflag:s29] =	ssyncadd.s32 $0xFFFFFFFF  }
0xbe: {  	_ =	strace $0x9000004B  }
0xbf: {  	_ =	sfence  }
0xc0: {  	s30 =	sld [smem:$0x0];
	_ =	sdelay $0x2  }
0xc1: {  	s31 =	sshll.u32 s1, $0xD;
	s1 =	sshrl.u32 s1, $0x2  }
0xc2: {  	s3 =	sand.u32 $0x4000, s31;
	s1 =	sadd.s32 s1, s30  }
0xc3: {  	s0 =	sor.u32 s3, s0;
	s1 =	sshll.u32 s1, $0x11  }
0xc4: {  	s0 =	sor.u32 s1, s0  }
0xc5: {  	s0 =	sadd.s32 $0x8F2B, s0  }
0xc6: {  	[sflag:s0] =	ssyncadd.remote.s32 $0x1  }
0xc7: {  	_ =	sfence.sel $0xFFFF  }
0xc8: {  	[dreg:$0x0] =	wrdreg $0xFFFFFFFF;
	(pc) =	sbr.abs _section_cstart, $3  }
0xc9: {  	[dreg:$0x1] =	wrdreg $0xFFFFFFFF  }
0xca: {  	_ =	task.clear_ibuf [dreg:s9], $0x2FFFF;
	_ =	strace $0x9FFFFFFF  }
0xcb: {  	(tm) =	ssettm $0x7FFFFFFF  }
tec
execute0_lowered:
.L_overlay_start_1:
0x0: {  	(tag) =	ssettag $0x1  }
0x1: {  	s5 =	rddreg [dreg:$0x0]  }
0x2: {  	s6 =	rddreg [dreg:$0x1]  }
0x3: {  	s7 =	rddreg [dreg:$0x2]  }
0x4: {  	s8 =	rddreg [dreg:$0x3]  }
0x5: {  	s0 =	rddreg [dreg:$0x4];
	s1 =	simm.s32 $0x0  }
0x6: {  	s4 =	srdreg.scid;
	s2 =	stileid.u32;
	s13 =	simm.s32 $0x2  }
0x7: {  	s14 =	simm.s32 $0x4000;
	s15 =	simm.s32 $0x2400;
	s16 =	simm.s32 $0xA400  }
0x8: {  	s17 =	simm.s32 $0x0;
	[smem:$0x7FF] =	sst s1;
	s4 =	sand.u32 $0x1, s4  }
0x9: {  	s3 =	sadd.s32 $0x1000, s5;
	s9 =	sshll.u32 s2, $0x7;
	s10 =	sshll.u32 s4, $0x6  }
0xa: {  	_ =	strace $0x8000004A;
	s11 =	ssub.s32 $0x2, s4;
	s9 =	sor.u32 s10, s9  }
0xb: {  	s4 =	sadd.s32 $0x7A2400, s5;
	s31 =	sshrl.u32 s11, $0x1;
	s12 =	sadd.s32 s9, s5  }
0xc: {  	s10 =	ssub.s32 s11, s31;
	s5 =	sadd.s32 s6, s9;
	s6 =	sadd.s32 s7, s9  }
0xd: {  	s7 =	sadd.s32 s8, s9;
	s11 =	simm.s32 $0x200;
	s8 =	sadd.s32 $0xF43800, s12  }
0xe: {  	s9 =	smax.u32 s10, $0x1;
	s10 =	simm.s32 $0x3;
	s12 =	simm.s32 $0x1  }
.LBB2_1:
0xf: {  	[tilespmem:s1], [sflag:$0x3] =	stream.linear.gather [hbm4b:s5+s1], $0x200, $0x38;
	[tilespmem:$0x12400] =	vst v63  }
0x10: {  	_ =	swait.ge [sflag:s10], $0x200  }
0x11: {  	[sflag:s10] =	ssyncset.done $0x0  }
0x12: {  	[sflag:s10] =	ssyncadd.s32 $0xFFFFFE00  }
0x13: {  	[tilespmem:s11], [sflag:$0x3] =	stream.linear.gather [hbm4b:s6+s1], $0x200, $0x38;
	[tilespmem:$0x12400] =	vst v63  }
0x14: {  	_ =	swait.ge [sflag:s10], $0x200  }
0x15: {  	[sflag:s10] =	ssyncset.done $0x0  }
0x16: {  	s18 =	simm.s32 $0x0;
	s19 =	simm.s32 $0x40;
	[sflag:s10] =	ssyncadd.s32 $0xFFFFFE00  }
.LBB2_2:
0x17: {  	p0 =	sne.s32 s19, $0x7C0;
	v0 =	vld [tilespmem:s18+$0x0];
	_ =	sdelay $0x3  }
.Ltmp0:
0x18: {  	(pc) =	sbr.rel @p0 .LBB2_2-.Ltmp0, $4  }
0x19: {  	v1 =	vshll.u32 v0, $0x3  }
0x1a: {  	v0 =	vand.u32 $0x7F, v0;
	v1 =	vand.u32 $0xFFFFFC00, v1  }
0x1b: {  	v0 =	vor.u32 v0, v1  }
0x1c: {  	[tilespmem:s18+$0x0] =	vst v0;
	s18 =	sshra.s32 s19, $0x2;
	s19 =	sadd.s32 $0x40, s19  }
0x1d: {  	v0 =	vld [tilespmem:s18+$0x0];
	_ =	sdelay $0x4  }
0x1e: {  	v1 =	vshll.u32 v0, $0x3  }
0x1f: {  	v0 =	vand.u32 $0x7F, v0;
	v1 =	vand.u32 $0xFFFFFC00, v1  }
0x20: {  	v0 =	vor.u32 v0, v1  }
0x21: {  	s19 =	simm.s32 $0x0;
	s20 =	simm.s32 $0x40;
	[tilespmem:s18+$0x0] =	vst v0;
	s18 =	simm.s32 $0x0  }
.LBB2_4:
0x22: {  	p0 =	sne.s32 s20, $0x7C0;
	v0 =	vld [tilespmem:s19+$0x200];
	_ =	sdelay $0x3  }
.Ltmp1:
0x23: {  	(pc) =	sbr.rel @p0 .LBB2_4-.Ltmp1, $4  }
0x24: {  	v1 =	vshll.u32 v0, $0x3  }
0x25: {  	v0 =	vand.u32 $0x7F, v0;
	v1 =	vand.u32 $0xFFFFFC00, v1  }
0x26: {  	v0 =	vor.u32 v0, v1  }
0x27: {  	[tilespmem:s19+$0x200] =	vst v0;
	s19 =	sshra.s32 s20, $0x2;
	s20 =	sadd.s32 $0x40, s20  }
0x28: {  	v0 =	vld [tilespmem:s19+$0x200];
	_ =	sdelay $0x4  }
0x29: {  	v1 =	vshll.u32 v0, $0x3  }
0x2a: {  	v0 =	vand.u32 $0x7F, v0;
	v1 =	vand.u32 $0xFFFFFC00, v1  }
0x2b: {  	v0 =	vor.u32 v0, v1  }
0x2c: {  	[tilespmem:s19+$0x200] =	vst v0;
	s19 =	simm.s32 $0x0  }
.LBB2_6:
0x2d: {  	s20 =	sshll.u32 s18, $0x9  }
0x2e: {  	s21 =	sand.u32 $0xE00, s20;
	s20 =	simm.s32 $0x0  }
0x2f: {  	s23 =	sshrl.u32 s19, $0x3;
	s22 =	sadd.s32 $0x400, s21;
	v2 =	vld [tilespmem:s20+$0x0]  }
0x30: {  	s24 =	sand.u32 $0x7, s19;
	s23 =	smul.u32 $0x7A1400, s23;
	v0 =	vmov s22  }
0x31: {  	s30 =	sshll.u32 s24, $0x7  }
0x32: {  	s22 =	sor.u32 s30, s23  }
0x33: {  	v1 =	vmov s22  }
0x34: {  	v2 =	vadd.s32 v1, v2  }
0x35: {  	[tilespmem:v0+s20+$0x0 ss:$0x1] =	vst.idx.msk $0xffff, v2  }
0x36: {  	v3 =	vld [tilespmem:s20+$0x200]  }
0x37: {  	s31 =	sadd.s32 $0x1400, s21  }
0x38: {  	v2 =	vmov s31;
	_ =	sdelay $0x2  }
0x39: {  	s21 =	sshll.u32 s24, $0x9;
	s23 =	simm.s32 $0x80;
	s22 =	simm.s32 $0x40;
	v3 =	vadd.s32 v1, v3  }
.LBB2_7:
0x3a: {  	p0 =	sne.s32 s23, $0x7C0  }
0x3b: {  	[tilespmem:v2+s20+$0x0 ss:$0x1] =	vst.idx.msk $0xffff, v3;
	s20 =	sshra.s32 s22, $0x2;
	s22 =	smov.u32 s23;
	s23 =	sadd.s32 $0x40, s23  }
0x3c: {  	v3 =	vld [tilespmem:s20+$0x0];
	_ =	sdelay $0x4  }
0x3d: {  	v3 =	vadd.s32 v1, v3  }
0x3e: {  	[tilespmem:v0+s20+$0x0 ss:$0x1] =	vst.idx.msk $0xffff, v3  }
0x3f: {  	v3 =	vld [tilespmem:s20+$0x200]  }
.Ltmp2:
0x40: {  	(pc) =	sbr.rel @p0 .LBB2_7-.Ltmp2, $2  }
0x41: {  	_ =	sdelay $0x2  }
0x42: {  	v3 =	vadd.s32 v1, v3  }
0x43: {  	_ =	sdelay $0x3  }
0x44: {  	s22 =	sshra.s32 s22, $0x2;
	[tilespmem:v2+s20+$0x0 ss:$0x1] =	vst.idx.msk $0xffff, v3  }
0x45: {  	v3 =	vld [tilespmem:s22+$0x0];
	_ =	sdelay $0x4  }
0x46: {  	v3 =	vadd.s32 v1, v3  }
0x47: {  	[tilespmem:v0+s22+$0x0 ss:$0x1] =	vst.idx.msk $0xffff, v3  }
0x48: {  	v0 =	vld [tilespmem:s22+$0x200];
	_ =	sdelay $0x4  }
0x49: {  	s29 =	sshll.u32 s19, $0x9;
	v0 =	vadd.s32 v1, v0  }
0x4a: {  	s23 =	sadd.s32 $0x400, s21;
	s30 =	sadd.s32 $0x2400, s29;
	[tilespmem:v2+s22+$0x0 ss:$0x1] =	vst.idx.msk $0xffff, v0  }
0x4b: {  	[tilespmem:s30], [sflag:$0x1] =	stream.indirect.gather [hbm4b:s3+s11], $0x1, s23, s11, $0xb8;
	[tilespmem:$0x12400] =	vst v63  }
0x4c: {  	s31 =	sadd.s32 $0x1400, s21;
	p0 =	slt.u32 s19, $0x8;
	s20 =	sadd.s32 $0xA400, s29  }
0x4d: {  	[tilespmem:s20], [sflag:$0x2] =	stream.indirect.gather [hbm4b:s4+s11], $0x1, s31, s11, $0xb8;
	[tilespmem:$0x12400] =	vst v63  }
0x4e: {  	s19 =	sadd.s32 $0x1, s19;
	s20 =	simm.s32 @!p0 $0x1  }
0x4f: {  	p1 =	sne.s32 s19, $0x40;
	_ =	swait.ge @!p0 [sflag:s20], $0x200  }
.Ltmp3:
0x50: {  	[sflag:s20] =	ssyncset.done @!p0 $0x0;
	(pc) =	sbr.rel @p1 .LBB2_6-.Ltmp3, $4  }
0x51: {  	[sflag:s20] =	ssyncadd.s32 @!p0 $0xFFFFFE00;
	s20 =	simm.s32 @!p0 $0x2  }
0x52: {  	_ =	swait.ge @!p0 [sflag:s20], $0x200  }
0x53: {  	[sflag:s20] =	ssyncset.done @!p0 $0x0  }
0x54: {  	s18 =	sadd.s32 $0x1, s18;
	[sflag:s20] =	ssyncadd.s32 @!p0 $0xFFFFFE00  }
0x55: {  	_ =	swait.ge [sflag:s12], $0x200  }
0x56: {  	[sflag:s12] =	ssyncset.done $0x0  }
0x57: {  	[sflag:s12] =	ssyncadd.s32 $0xFFFFFE00  }
0x58: {  	_ =	swait.ge [sflag:s13], $0x200  }
0x59: {  	[sflag:s13] =	ssyncset.done $0x0  }
0x5a: {  	[sflag:s13] =	ssyncadd.s32 $0xFFFFFE00  }
0x5b: {  	_ =	swait.ge [sflag:s12], $0x200  }
0x5c: {  	[sflag:s12] =	ssyncset.done $0x0  }
0x5d: {  	[sflag:s12] =	ssyncadd.s32 $0xFFFFFE00  }
0x5e: {  	_ =	swait.ge [sflag:s13], $0x200  }
0x5f: {  	[sflag:s13] =	ssyncset.done $0x0  }
0x60: {  	[sflag:s13] =	ssyncadd.s32 $0xFFFFFE00  }
0x61: {  	_ =	swait.ge [sflag:s12], $0x200  }
0x62: {  	[sflag:s12] =	ssyncset.done $0x0  }
0x63: {  	[sflag:s12] =	ssyncadd.s32 $0xFFFFFE00  }
0x64: {  	_ =	swait.ge [sflag:s13], $0x200  }
0x65: {  	[sflag:s13] =	ssyncset.done $0x0  }
0x66: {  	[sflag:s13] =	ssyncadd.s32 $0xFFFFFE00  }
0x67: {  	_ =	swait.ge [sflag:s12], $0x200  }
0x68: {  	[sflag:s12] =	ssyncset.done $0x0  }
0x69: {  	[sflag:s12] =	ssyncadd.s32 $0xFFFFFE00  }
0x6a: {  	_ =	swait.ge [sflag:s13], $0x200  }
0x6b: {  	[sflag:s13] =	ssyncset.done $0x0  }
0x6c: {  	[sflag:s13] =	ssyncadd.s32 $0xFFFFFE00  }
0x6d: {  	_ =	swait.ge [sflag:s12], $0x200  }
0x6e: {  	[sflag:s12] =	ssyncset.done $0x0  }
0x6f: {  	[sflag:s12] =	ssyncadd.s32 $0xFFFFFE00  }
0x70: {  	_ =	swait.ge [sflag:s13], $0x200  }
0x71: {  	[sflag:s13] =	ssyncset.done $0x0  }
0x72: {  	[sflag:s13] =	ssyncadd.s32 $0xFFFFFE00  }
0x73: {  	_ =	swait.ge [sflag:s12], $0x200  }
0x74: {  	[sflag:s12] =	ssyncset.done $0x0  }
0x75: {  	[sflag:s12] =	ssyncadd.s32 $0xFFFFFE00  }
0x76: {  	_ =	swait.ge [sflag:s13], $0x200  }
0x77: {  	[sflag:s13] =	ssyncset.done $0x0  }
0x78: {  	[sflag:s13] =	ssyncadd.s32 $0xFFFFFE00  }
0x79: {  	_ =	swait.ge [sflag:s12], $0x200  }
0x7a: {  	[sflag:s12] =	ssyncset.done $0x0  }
0x7b: {  	[sflag:s12] =	ssyncadd.s32 $0xFFFFFE00  }
0x7c: {  	_ =	swait.ge [sflag:s13], $0x200  }
0x7d: {  	[sflag:s13] =	ssyncset.done $0x0  }
0x7e: {  	[sflag:s13] =	ssyncadd.s32 $0xFFFFFE00  }
0x7f: {  	_ =	swait.ge [sflag:s12], $0x200  }
0x80: {  	[sflag:s12] =	ssyncset.done $0x0  }
0x81: {  	[sflag:s12] =	ssyncadd.s32 $0xFFFFFE00  }
0x82: {  	_ =	swait.ge [sflag:s13], $0x200  }
0x83: {  	[sflag:s13] =	ssyncset.done $0x0  }
0x84: {  	[sflag:s13] =	ssyncadd.s32 $0xFFFFFE00  }
0x85: {  	[hbm4b:s7+s11] =	stream.strided.scatter [tilespmem:s15], [sflag:$0x3], $0x8000, s14, s11, $0x38;
	[tilespmem:$0x12400] =	vst v63  }
0x86: {  	s17 =	sadd.s32 $0x1, s17;
	_ =	swait.ge [sflag:s10], $0x8000  }
0x87: {  	p0 =	sne.s32 s17, s9;
	[sflag:s10] =	ssyncset.done $0x0  }
.Ltmp4:
0x88: {  	[sflag:s10] =	ssyncadd.s32 $0xFFFF8000;
	(pc) =	sbr.rel @p0 .LBB2_1-.Ltmp4, $4  }
0x89: {  	[hbm4b:s8+s11] =	stream.strided.scatter [tilespmem:s16], [sflag:$0x3], $0x8000, s14, s11, $0x38;
	[tilespmem:$0x12400] =	vst v63  }
0x8a: {  	_ =	swait.ge [sflag:s10], $0x8000  }
0x8b: {  	[sflag:s10] =	ssyncset.done $0x0  }
0x8c: {  	[sflag:s10] =	ssyncadd.s32 $0xFFFF8000  }
0x8d: {  	_ =	sfence.sel $0x180000  }
0x8e: {  	[bflag:$0x0] =	sbarrier.arrive $0xFFFF  }
0x8f: {  	p0 =	sne.s32 s2, $0x0;
	_ =	strace $0x9000004A  }
0x90: {  	s0 =	sadd.s32 @!p0 $0x100000, s0;
	[bflag:$0x2] =	sbarrier.arrive $0xFFFF  }
0x91: {  	[sflag:s0] =	ssyncadd.tile.s32 @!p0 $0x1;
	_ =	shalt  }
.Lfunc_end2:
_tile_overlayer_lowered:
.L_overlay_start_2:
0x92: {  	(tag) =	ssettag $0x2  }
0x93: {  	s0 =	rddreg [dreg:$0x0];
	s2 =	stileid.u32  }
0x94: {  	s1 =	rddreg [dreg:$0x1];
	p0 =	sne.s32 s2, $0x0  }
0x95: {  	s3 =	rddreg [dreg:$0x2];
	[bflag:$0x3] =	sbarrier.arrive $0xFFFF;
	s2 =	simm.s32 @!p0 $0x1C03  }
0x96: {  	[timem:s3], [sflag:s2] =	dma.local @!p0 [hbm:s0], s1  }
0x97: {  	s0 =	simm.s32 @!p0 $0x3  }
0x98: {  	_ =	swait.ge @!p0 [sflag:s0], s1  }
0x99: {  	s1 =	ssub.s32 @!p0 $0x0, s1;
	[sflag:s0] =	ssyncset.done @!p0 $0x0  }
0x9a: {  	[sflag:s0] =	ssyncadd.s32 @!p0 s1  }
0x9b: {  	[bflag:$0x3] =	sbarrier.arrive $0xFFFF  }
0x9c: {  	_ =	shalt  }

</sc_bundles>
